<compile_context>
chip_gen: v7x
topology: tpu7x:2x2x1
jax: 0.10.2.dev20260603
libtpu: 0.0.44.dev20260713+nightly
codegen_flags: <defaults>
</compile_context>

<pallas_src>
import functools

import jax
import jax.numpy as jnp
from jax import lax
from jax.experimental import pallas as pl
from jax.experimental.pallas import tpu as pltpu
from jax.experimental.pallas import tpu_sc as plsc


_NUM_CORES = 2
_NUM_SUBCORES = 16


def kernel(x, pos_embedding):
    batch, seq_len, head_dim = x.shape
    nw = _NUM_CORES * _NUM_SUBCORES
    rows_per_w = seq_len // nw
    mesh = plsc.VectorSubcoreMesh(core_axis_name="c", subcore_axis_name="s")

    @functools.partial(
        pl.kernel,
        mesh=mesh,
        out_type=jax.ShapeDtypeStruct(
            (batch, seq_len, head_dim), pos_embedding.dtype
        ),
        scratch_types=[
            pltpu.VMEM((rows_per_w, head_dim), pos_embedding.dtype),
            pltpu.SemaphoreType.DMA,
            pltpu.SemaphoreType.DMA,
        ],
    )
    def _sc_copy(table_hbm, out_hbm, rows_v, in_sem, out_sem):
        wid = lax.axis_index("s") * _NUM_CORES + lax.axis_index("c")
        base = wid * rows_per_w
        n_sub = 4
        sub = rows_per_w // n_sub
        in_copies = [
            pltpu.make_async_copy(
                table_hbm.at[pl.ds(base + i * sub, sub)],
                rows_v.at[pl.ds(i * sub, sub)],
                in_sem,
            )
            for i in range(n_sub)
        ]
        for c in in_copies:
            c.start()
        out_copies = []
        for i in range(n_sub):
            in_copies[i].wait()
            for b in range(batch):
                c = pltpu.make_async_copy(
                    rows_v.at[pl.ds(i * sub, sub)],
                    out_hbm.at[b, pl.ds(base + i * sub, sub)],
                    out_sem,
                )
                c.start()
                out_copies.append(c)
        for c in out_copies:
            c.wait()

    return _sc_copy(pos_embedding)

# --- scband reference (transcript-rebuilt; emitter-appended) ---
"""Pipeline reference for scband-learnable-absolute-position-47047071760785 (READ-ONLY COPY).

The authoritative reference and input builder live on the scoring server;
editing this copy changes nothing except your own understanding.
"""

import jax, jax.numpy as jnp
import numpy as np
import math

BATCH = 4
SEQ_LEN = 2048
HEAD_DIM = 1024
MAX_LEN = 8192


def _init_pos_embedding(max_len, head_dim):
    position = np.arange(max_len, dtype=np.float32)[:, None]
    div_term = np.exp(np.arange(0, head_dim, 2, dtype=np.float32) * (-math.log(10000.0) / head_dim))
    table = np.zeros((max_len, head_dim), dtype=np.float32)
    table[:, 0::2] = np.sin(position * div_term)
    table[:, 1::2] = np.cos(position * div_term)
    return jnp.asarray(table)


def setup_inputs(seed: int = 0) -> dict:
    key = jax.random.key(seed)
    k_x, _ = jax.random.split(key)
    x = jax.random.normal(k_x, (BATCH, SEQ_LEN, HEAD_DIM), dtype=jnp.float32)
    pos_embedding = _init_pos_embedding(MAX_LEN, HEAD_DIM)
    return {"x": x, "pos_embedding": pos_embedding}


def reference(x, pos_embedding):
    batch_size = x.shape[0]
    seq_len = x.shape[1]
    positions = jnp.arange(seq_len, dtype=jnp.int32)
    positions = jnp.broadcast_to(positions[None, :], (batch_size, seq_len))
    # embedding lookup: gather rows of pos_embedding
    out = jnp.take(pos_embedding, positions, axis=0)
    return out

if __name__ == "__main__":
    import jax
    _d = setup_inputs()
    print(jax.jit(kernel)(*tuple(_d.values())))

</pallas_src>

<mosaic_0001>
#map = affine_map<(d0, d1) -> (0, 0)>
#map1 = affine_map<(d0, d1) -> (0, 0, 0)>
module attributes {stable_mosaic.version = 14 : i64} {
  func.func @_sc_copy(%arg0: i32, %arg1: i32, %arg2: memref<8192x1024xf32, #tpu.memory_space<hbm>>, %arg3: memref<4x2048x1024xf32, #tpu.memory_space<hbm>>, %arg4: memref<64x1024xf32, #tpu.memory_space<vmem>>, %arg5: memref<!tpu.dma_semaphore, #tpu.memory_space<semaphore_mem>>, %arg6: memref<!tpu.dma_semaphore, #tpu.memory_space<semaphore_mem>>) attributes {dimension_semantics = [#tpu.dimension_semantics<core_parallel>, #tpu.dimension_semantics<subcore_parallel>], iteration_bounds = array<i64: 2, 16>, scalar_prefetch = 0 : i64, scratch_operands = 3 : i64, tpu.core_type = #tpu.core_type<sc_vector_subcore>, window_params = [{transform_indices = #map}, {transform_indices = #map1}]} {
    %mul3A = arith.constant 2 : i32
    %mul3A_0 = arith.muli %arg1, %mul3A : i32
    %add3A = arith.addi %mul3A_0, %arg0 : i32
    %mul3A_1 = arith.constant 64 : i32
    %mul3A_2 = arith.muli %add3A, %mul3A_1 : i32
    %add3A_3 = arith.constant 0 : i32
    %add3A_4 = arith.addi %mul3A_2, %add3A_3 : i32
    %add3A_5 = arith.constant 16 : i32
    %add3A_6 = arith.addi %mul3A_2, %add3A_5 : i32
    %add3A_7 = arith.constant 32 : i32
    %add3A_8 = arith.addi %mul3A_2, %add3A_7 : i32
    %add3A_9 = arith.constant 48 : i32
    %add3A_10 = arith.addi %mul3A_2, %add3A_9 : i32
    %dma_start3A = arith.constant 0 : i32
    %dma_start3A_11 = arith.constant 0 : i32
    %dma_start3A_12 = tpu.memref_slice %arg4[%dma_start3A, %dma_start3A_11] : memref<64x1024xf32, #tpu.memory_space<vmem>> -> memref<16x1024xf32, #tpu.memory_space<vmem>>
    %dma_start3A_13 = arith.constant 0 : i32
    %dma_start3A_14 = tpu.memref_slice %arg2[%add3A_4, %dma_start3A_13] : memref<8192x1024xf32, #tpu.memory_space<hbm>> -> memref<16x1024xf32, #tpu.memory_space<hbm>>
    %dma_start3A_15 = arith.constant 0 : i32
    %dma_start3A_16 = arith.constant 0 : i32
    %dma_start3A_17 = tpu.memref_slice %arg4[%dma_start3A_15, %dma_start3A_16] : memref<64x1024xf32, #tpu.memory_space<vmem>> -> memref<16x1024xf32, #tpu.memory_space<vmem>>
    %dma_start3A_18 = arith.constant 0 : i32
    %dma_start3A_19 = tpu.memref_slice %arg2[%add3A_4, %dma_start3A_18] : memref<8192x1024xf32, #tpu.memory_space<hbm>> -> memref<16x1024xf32, #tpu.memory_space<hbm>>
    tpu.enqueue_dma source(%dma_start3A_19 : memref<16x1024xf32, #tpu.memory_space<hbm>>) target(%dma_start3A_17 : memref<16x1024xf32, #tpu.memory_space<vmem>>) target_semaphore(%arg5 : memref<!tpu.dma_semaphore, #tpu.memory_space<semaphore_mem>>)
    %dma_start3A_20 = arith.constant 16 : i32
    %dma_start3A_21 = arith.constant 0 : i32
    %dma_start3A_22 = tpu.memref_slice %arg4[%dma_start3A_20, %dma_start3A_21] : memref<64x1024xf32, #tpu.memory_space<vmem>> -> memref<16x1024xf32, #tpu.memory_space<vmem>>
    %dma_start3A_23 = arith.constant 0 : i32
    %dma_start3A_24 = tpu.memref_slice %arg2[%add3A_6, %dma_start3A_23] : memref<8192x1024xf32, #tpu.memory_space<hbm>> -> memref<16x1024xf32, #tpu.memory_space<hbm>>
    %dma_start3A_25 = arith.constant 16 : i32
    %dma_start3A_26 = arith.constant 0 : i32
    %dma_start3A_27 = tpu.memref_slice %arg4[%dma_start3A_25, %dma_start3A_26] : memref<64x1024xf32, #tpu.memory_space<vmem>> -> memref<16x1024xf32, #tpu.memory_space<vmem>>
    %dma_start3A_28 = arith.constant 0 : i32
    %dma_start3A_29 = tpu.memref_slice %arg2[%add3A_6, %dma_start3A_28] : memref<8192x1024xf32, #tpu.memory_space<hbm>> -> memref<16x1024xf32, #tpu.memory_space<hbm>>
    tpu.enqueue_dma source(%dma_start3A_29 : memref<16x1024xf32, #tpu.memory_space<hbm>>) target(%dma_start3A_27 : memref<16x1024xf32, #tpu.memory_space<vmem>>) target_semaphore(%arg5 : memref<!tpu.dma_semaphore, #tpu.memory_space<semaphore_mem>>)
    %dma_start3A_30 = arith.constant 32 : i32
    %dma_start3A_31 = arith.constant 0 : i32
    %dma_start3A_32 = tpu.memref_slice %arg4[%dma_start3A_30, %dma_start3A_31] : memref<64x1024xf32, #tpu.memory_space<vmem>> -> memref<16x1024xf32, #tpu.memory_space<vmem>>
    %dma_start3A_33 = arith.constant 0 : i32
    %dma_start3A_34 = tpu.memref_slice %arg2[%add3A_8, %dma_start3A_33] : memref<8192x1024xf32, #tpu.memory_space<hbm>> -> memref<16x1024xf32, #tpu.memory_space<hbm>>
    %dma_start3A_35 = arith.constant 32 : i32
    %dma_start3A_36 = arith.constant 0 : i32
    %dma_start3A_37 = tpu.memref_slice %arg4[%dma_start3A_35, %dma_start3A_36] : memref<64x1024xf32, #tpu.memory_space<vmem>> -> memref<16x1024xf32, #tpu.memory_space<vmem>>
    %dma_start3A_38 = arith.constant 0 : i32
    %dma_start3A_39 = tpu.memref_slice %arg2[%add3A_8, %dma_start3A_38] : memref<8192x1024xf32, #tpu.memory_space<hbm>> -> memref<16x1024xf32, #tpu.memory_space<hbm>>
    tpu.enqueue_dma source(%dma_start3A_39 : memref<16x1024xf32, #tpu.memory_space<hbm>>) target(%dma_start3A_37 : memref<16x1024xf32, #tpu.memory_space<vmem>>) target_semaphore(%arg5 : memref<!tpu.dma_semaphore, #tpu.memory_space<semaphore_mem>>)
    %dma_start3A_40 = arith.constant 48 : i32
    %dma_start3A_41 = arith.constant 0 : i32
    %dma_start3A_42 = tpu.memref_slice %arg4[%dma_start3A_40, %dma_start3A_41] : memref<64x1024xf32, #tpu.memory_space<vmem>> -> memref<16x1024xf32, #tpu.memory_space<vmem>>
    %dma_start3A_43 = arith.constant 0 : i32
    %dma_start3A_44 = tpu.memref_slice %arg2[%add3A_10, %dma_start3A_43] : memref<8192x1024xf32, #tpu.memory_space<hbm>> -> memref<16x1024xf32, #tpu.memory_space<hbm>>
    %dma_start3A_45 = arith.constant 48 : i32
    %dma_start3A_46 = arith.constant 0 : i32
    %dma_start3A_47 = tpu.memref_slice %arg4[%dma_start3A_45, %dma_start3A_46] : memref<64x1024xf32, #tpu.memory_space<vmem>> -> memref<16x1024xf32, #tpu.memory_space<vmem>>
    %dma_start3A_48 = arith.constant 0 : i32
    %dma_start3A_49 = tpu.memref_slice %arg2[%add3A_10, %dma_start3A_48] : memref<8192x1024xf32, #tpu.memory_space<hbm>> -> memref<16x1024xf32, #tpu.memory_space<hbm>>
    tpu.enqueue_dma source(%dma_start3A_49 : memref<16x1024xf32, #tpu.memory_space<hbm>>) target(%dma_start3A_47 : memref<16x1024xf32, #tpu.memory_space<vmem>>) target_semaphore(%arg5 : memref<!tpu.dma_semaphore, #tpu.memory_space<semaphore_mem>>)
    %dma_wait3A = arith.constant 0 : i32
    %dma_wait3A_50 = arith.constant 0 : i32
    %dma_wait3A_51 = tpu.memref_slice %arg4[%dma_wait3A, %dma_wait3A_50] : memref<64x1024xf32, #tpu.memory_space<vmem>> -> memref<16x1024xf32, #tpu.memory_space<vmem>>
    %dma_wait3A_52 = arith.constant 0 : i32
    %dma_wait3A_53 = tpu.memref_slice %arg2[%add3A_4, %dma_wait3A_52] : memref<8192x1024xf32, #tpu.memory_space<hbm>> -> memref<16x1024xf32, #tpu.memory_space<hbm>>
    %dma_wait3A_54 = arith.constant 0 : i32
    %dma_wait3A_55 = arith.constant 0 : i32
    %dma_wait3A_56 = tpu.memref_slice %arg4[%dma_wait3A_54, %dma_wait3A_55] : memref<64x1024xf32, #tpu.memory_space<vmem>> -> memref<16x1024xf32, #tpu.memory_space<vmem>>
    %dma_wait3A_57 = arith.constant 0 : i32
    %dma_wait3A_58 = tpu.memref_slice %arg2[%add3A_4, %dma_wait3A_57] : memref<8192x1024xf32, #tpu.memory_space<hbm>> -> memref<16x1024xf32, #tpu.memory_space<hbm>>
    tpu.wait_dma2 semaphore(%arg5 : memref<!tpu.dma_semaphore, #tpu.memory_space<semaphore_mem>>) src(%dma_wait3A_58 : memref<16x1024xf32, #tpu.memory_space<hbm>>) dst(%dma_wait3A_56 : memref<16x1024xf32, #tpu.memory_space<vmem>>)
    %add3A_59 = arith.constant 0 : i32
    %add3A_60 = arith.addi %mul3A_2, %add3A_59 : i32
    %dma_start3A_61 = arith.constant 0 : i32
    %dma_start3A_62 = arith.constant 0 : i32
    %dma_start3A_63 = arith.constant 0 : i32
    %dma_start3A_64 = tpu.memref_slice %arg4[%dma_start3A_62, %dma_start3A_63] : memref<64x1024xf32, #tpu.memory_space<vmem>> -> memref<16x1024xf32, #tpu.memory_space<vmem>>
    %dma_start3A_65 = arith.constant 0 : i32
    %dma_start3A_66 = tpu.memref_slice %arg3[%dma_start3A_61, %add3A_60, %dma_start3A_65] : memref<4x2048x1024xf32, #tpu.memory_space<hbm>> -> memref<1x16x1024xf32, #tpu.memory_space<hbm>>
    %dma_start3A_67 = tpu.memref_squeeze %dma_start3A_66 : memref<1x16x1024xf32, #tpu.memory_space<hbm>> -> memref<16x1024xf32, #tpu.memory_space<hbm>>
    %dma_start3A_68 = arith.constant 0 : i32
    %dma_start3A_69 = tpu.memref_slice %arg3[%dma_start3A_61, %add3A_60, %dma_start3A_68] : memref<4x2048x1024xf32, #tpu.memory_space<hbm>> -> memref<1x16x1024xf32, #tpu.memory_space<hbm>>
    %dma_start3A_70 = tpu.memref_squeeze %dma_start3A_69 : memref<1x16x1024xf32, #tpu.memory_space<hbm>> -> memref<16x1024xf32, #tpu.memory_space<hbm>>
    %dma_start3A_71 = arith.constant 0 : i32
    %dma_start3A_72 = arith.constant 0 : i32
    %dma_start3A_73 = tpu.memref_slice %arg4[%dma_start3A_71, %dma_start3A_72] : memref<64x1024xf32, #tpu.memory_space<vmem>> -> memref<16x1024xf32, #tpu.memory_space<vmem>>
    tpu.enqueue_dma source(%dma_start3A_73 : memref<16x1024xf32, #tpu.memory_space<vmem>>) target(%dma_start3A_70 : memref<16x1024xf32, #tpu.memory_space<hbm>>) target_semaphore(%arg6 : memref<!tpu.dma_semaphore, #tpu.memory_space<semaphore_mem>>)
    %add3A_74 = arith.constant 0 : i32
    %add3A_75 = arith.addi %mul3A_2, %add3A_74 : i32
    %dma_start3A_76 = arith.constant 1 : i32
    %dma_start3A_77 = arith.constant 0 : i32
    %dma_start3A_78 = arith.constant 0 : i32
    %dma_start3A_79 = tpu.memref_slice %arg4[%dma_start3A_77, %dma_start3A_78] : memref<64x1024xf32, #tpu.memory_space<vmem>> -> memref<16x1024xf32, #tpu.memory_space<vmem>>
    %dma_start3A_80 = arith.constant 0 : i32
    %dma_start3A_81 = tpu.memref_slice %arg3[%dma_start3A_76, %add3A_75, %dma_start3A_80] : memref<4x2048x1024xf32, #tpu.memory_space<hbm>> -> memref<1x16x1024xf32, #tpu.memory_space<hbm>>
    %dma_start3A_82 = tpu.memref_squeeze %dma_start3A_81 : memref<1x16x1024xf32, #tpu.memory_space<hbm>> -> memref<16x1024xf32, #tpu.memory_space<hbm>>
    %dma_start3A_83 = arith.constant 0 : i32
    %dma_start3A_84 = tpu.memref_slice %arg3[%dma_start3A_76, %add3A_75, %dma_start3A_83] : memref<4x2048x1024xf32, #tpu.memory_space<hbm>> -> memref<1x16x1024xf32, #tpu.memory_space<hbm>>
    %dma_start3A_85 = tpu.memref_squeeze %dma_start3A_84 : memref<1x16x1024xf32, #tpu.memory_space<hbm>> -> memref<16x1024xf32, #tpu.memory_space<hbm>>
    %dma_start3A_86 = arith.constant 0 : i32
    %dma_start3A_87 = arith.constant 0 : i32
    %dma_start3A_88 = tpu.memref_slice %arg4[%dma_start3A_86, %dma_start3A_87] : memref<64x1024xf32, #tpu.memory_space<vmem>> -> memref<16x1024xf32, #tpu.memory_space<vmem>>
    tpu.enqueue_dma source(%dma_start3A_88 : memref<16x1024xf32, #tpu.memory_space<vmem>>) target(%dma_start3A_85 : memref<16x1024xf32, #tpu.memory_space<hbm>>) target_semaphore(%arg6 : memref<!tpu.dma_semaphore, #tpu.memory_space<semaphore_mem>>)
    %add3A_89 = arith.constant 0 : i32
    %add3A_90 = arith.addi %mul3A_2, %add3A_89 : i32
    %dma_start3A_91 = arith.constant 2 : i32
    %dma_start3A_92 = arith.constant 0 : i32
    %dma_start3A_93 = arith.constant 0 : i32
    %dma_start3A_94 = tpu.memref_slice %arg4[%dma_start3A_92, %dma_start3A_93] : memref<64x1024xf32, #tpu.memory_space<vmem>> -> memref<16x1024xf32, #tpu.memory_space<vmem>>
    %dma_start3A_95 = arith.constant 0 : i32
    %dma_start3A_96 = tpu.memref_slice %arg3[%dma_start3A_91, %add3A_90, %dma_start3A_95] : memref<4x2048x1024xf32, #tpu.memory_space<hbm>> -> memref<1x16x1024xf32, #tpu.memory_space<hbm>>
    %dma_start3A_97 = tpu.memref_squeeze %dma_start3A_96 : memref<1x16x1024xf32, #tpu.memory_space<hbm>> -> memref<16x1024xf32, #tpu.memory_space<hbm>>
    %dma_start3A_98 = arith.constant 0 : i32
    %dma_start3A_99 = tpu.memref_slice %arg3[%dma_start3A_91, %add3A_90, %dma_start3A_98] : memref<4x2048x1024xf32, #tpu.memory_space<hbm>> -> memref<1x16x1024xf32, #tpu.memory_space<hbm>>
    %dma_start3A_100 = tpu.memref_squeeze %dma_start3A_99 : memref<1x16x1024xf32, #tpu.memory_space<hbm>> -> memref<16x1024xf32, #tpu.memory_space<hbm>>
    %dma_start3A_101 = arith.constant 0 : i32
    %dma_start3A_102 = arith.constant 0 : i32
    %dma_start3A_103 = tpu.memref_slice %arg4[%dma_start3A_101, %dma_start3A_102] : memref<64x1024xf32, #tpu.memory_space<vmem>> -> memref<16x1024xf32, #tpu.memory_space<vmem>>
    tpu.enqueue_dma source(%dma_start3A_103 : memref<16x1024xf32, #tpu.memory_space<vmem>>) target(%dma_start3A_100 : memref<16x1024xf32, #tpu.memory_space<hbm>>) target_semaphore(%arg6 : memref<!tpu.dma_semaphore, #tpu.memory_space<semaphore_mem>>)
    %add3A_104 = arith.constant 0 : i32
    %add3A_105 = arith.addi %mul3A_2, %add3A_104 : i32
    %dma_start3A_106 = arith.constant 3 : i32
    %dma_start3A_107 = arith.constant 0 : i32
    %dma_start3A_108 = arith.constant 0 : i32
    %dma_start3A_109 = tpu.memref_slice %arg4[%dma_start3A_107, %dma_start3A_108] : memref<64x1024xf32, #tpu.memory_space<vmem>> -> memref<16x1024xf32, #tpu.memory_space<vmem>>
    %dma_start3A_110 = arith.constant 0 : i32
    %dma_start3A_111 = tpu.memref_slice %arg3[%dma_start3A_106, %add3A_105, %dma_start3A_110] : memref<4x2048x1024xf32, #tpu.memory_space<hbm>> -> memref<1x16x1024xf32, #tpu.memory_space<hbm>>
    %dma_start3A_112 = tpu.memref_squeeze %dma_start3A_111 : memref<1x16x1024xf32, #tpu.memory_space<hbm>> -> memref<16x1024xf32, #tpu.memory_space<hbm>>
    %dma_start3A_113 = arith.constant 0 : i32
    %dma_start3A_114 = tpu.memref_slice %arg3[%dma_start3A_106, %add3A_105, %dma_start3A_113] : memref<4x2048x1024xf32, #tpu.memory_space<hbm>> -> memref<1x16x1024xf32, #tpu.memory_space<hbm>>
    %dma_start3A_115 = tpu.memref_squeeze %dma_start3A_114 : memref<1x16x1024xf32, #tpu.memory_space<hbm>> -> memref<16x1024xf32, #tpu.memory_space<hbm>>
    %dma_start3A_116 = arith.constant 0 : i32
    %dma_start3A_117 = arith.constant 0 : i32
    %dma_start3A_118 = tpu.memref_slice %arg4[%dma_start3A_116, %dma_start3A_117] : memref<64x1024xf32, #tpu.memory_space<vmem>> -> memref<16x1024xf32, #tpu.memory_space<vmem>>
    tpu.enqueue_dma source(%dma_start3A_118 : memref<16x1024xf32, #tpu.memory_space<vmem>>) target(%dma_start3A_115 : memref<16x1024xf32, #tpu.memory_space<hbm>>) target_semaphore(%arg6 : memref<!tpu.dma_semaphore, #tpu.memory_space<semaphore_mem>>)
    %dma_wait3A_119 = arith.constant 16 : i32
    %dma_wait3A_120 = arith.constant 0 : i32
    %dma_wait3A_121 = tpu.memref_slice %arg4[%dma_wait3A_119, %dma_wait3A_120] : memref<64x1024xf32, #tpu.memory_space<vmem>> -> memref<16x1024xf32, #tpu.memory_space<vmem>>
    %dma_wait3A_122 = arith.constant 0 : i32
    %dma_wait3A_123 = tpu.memref_slice %arg2[%add3A_6, %dma_wait3A_122] : memref<8192x1024xf32, #tpu.memory_space<hbm>> -> memref<16x1024xf32, #tpu.memory_space<hbm>>
    %dma_wait3A_124 = arith.constant 16 : i32
    %dma_wait3A_125 = arith.constant 0 : i32
    %dma_wait3A_126 = tpu.memref_slice %arg4[%dma_wait3A_124, %dma_wait3A_125] : memref<64x1024xf32, #tpu.memory_space<vmem>> -> memref<16x1024xf32, #tpu.memory_space<vmem>>
    %dma_wait3A_127 = arith.constant 0 : i32
    %dma_wait3A_128 = tpu.memref_slice %arg2[%add3A_6, %dma_wait3A_127] : memref<8192x1024xf32, #tpu.memory_space<hbm>> -> memref<16x1024xf32, #tpu.memory_space<hbm>>
    tpu.wait_dma2 semaphore(%arg5 : memref<!tpu.dma_semaphore, #tpu.memory_space<semaphore_mem>>) src(%dma_wait3A_128 : memref<16x1024xf32, #tpu.memory_space<hbm>>) dst(%dma_wait3A_126 : memref<16x1024xf32, #tpu.memory_space<vmem>>)
    %add3A_129 = arith.constant 16 : i32
    %add3A_130 = arith.addi %mul3A_2, %add3A_129 : i32
    %dma_start3A_131 = arith.constant 0 : i32
    %dma_start3A_132 = arith.constant 16 : i32
    %dma_start3A_133 = arith.constant 0 : i32
    %dma_start3A_134 = tpu.memref_slice %arg4[%dma_start3A_132, %dma_start3A_133] : memref<64x1024xf32, #tpu.memory_space<vmem>> -> memref<16x1024xf32, #tpu.memory_space<vmem>>
    %dma_start3A_135 = arith.constant 0 : i32
    %dma_start3A_136 = tpu.memref_slice %arg3[%dma_start3A_131, %add3A_130, %dma_start3A_135] : memref<4x2048x1024xf32, #tpu.memory_space<hbm>> -> memref<1x16x1024xf32, #tpu.memory_space<hbm>>
    %dma_start3A_137 = tpu.memref_squeeze %dma_start3A_136 : memref<1x16x1024xf32, #tpu.memory_space<hbm>> -> memref<16x1024xf32, #tpu.memory_space<hbm>>
    %dma_start3A_138 = arith.constant 0 : i32
    %dma_start3A_139 = tpu.memref_slice %arg3[%dma_start3A_131, %add3A_130, %dma_start3A_138] : memref<4x2048x1024xf32, #tpu.memory_space<hbm>> -> memref<1x16x1024xf32, #tpu.memory_space<hbm>>
    %dma_start3A_140 = tpu.memref_squeeze %dma_start3A_139 : memref<1x16x1024xf32, #tpu.memory_space<hbm>> -> memref<16x1024xf32, #tpu.memory_space<hbm>>
    %dma_start3A_141 = arith.constant 16 : i32
    %dma_start3A_142 = arith.constant 0 : i32
    %dma_start3A_143 = tpu.memref_slice %arg4[%dma_start3A_141, %dma_start3A_142] : memref<64x1024xf32, #tpu.memory_space<vmem>> -> memref<16x1024xf32, #tpu.memory_space<vmem>>
    tpu.enqueue_dma source(%dma_start3A_143 : memref<16x1024xf32, #tpu.memory_space<vmem>>) target(%dma_start3A_140 : memref<16x1024xf32, #tpu.memory_space<hbm>>) target_semaphore(%arg6 : memref<!tpu.dma_semaphore, #tpu.memory_space<semaphore_mem>>)
    %add3A_144 = arith.constant 16 : i32
    %add3A_145 = arith.addi %mul3A_2, %add3A_144 : i32
    %dma_start3A_146 = arith.constant 1 : i32
    %dma_start3A_147 = arith.constant 16 : i32
    %dma_start3A_148 = arith.constant 0 : i32
    %dma_start3A_149 = tpu.memref_slice %arg4[%dma_start3A_147, %dma_start3A_148] : memref<64x1024xf32, #tpu.memory_space<vmem>> -> memref<16x1024xf32, #tpu.memory_space<vmem>>
    %dma_start3A_150 = arith.constant 0 : i32
    %dma_start3A_151 = tpu.memref_slice %arg3[%dma_start3A_146, %add3A_145, %dma_start3A_150] : memref<4x2048x1024xf32, #tpu.memory_space<hbm>> -> memref<1x16x1024xf32, #tpu.memory_space<hbm>>
    %dma_start3A_152 = tpu.memref_squeeze %dma_start3A_151 : memref<1x16x1024xf32, #tpu.memory_space<hbm>> -> memref<16x1024xf32, #tpu.memory_space<hbm>>
    %dma_start3A_153 = arith.constant 0 : i32
    %dma_start3A_154 = tpu.memref_slice %arg3[%dma_start3A_146, %add3A_145, %dma_start3A_153] : memref<4x2048x1024xf32, #tpu.memory_space<hbm>> -> memref<1x16x1024xf32, #tpu.memory_space<hbm>>
    %dma_start3A_155 = tpu.memref_squeeze %dma_start3A_154 : memref<1x16x1024xf32, #tpu.memory_space<hbm>> -> memref<16x1024xf32, #tpu.memory_space<hbm>>
    %dma_start3A_156 = arith.constant 16 : i32
    %dma_start3A_157 = arith.constant 0 : i32
    %dma_start3A_158 = tpu.memref_slice %arg4[%dma_start3A_156, %dma_start3A_157] : memref<64x1024xf32, #tpu.memory_space<vmem>> -> memref<16x1024xf32, #tpu.memory_space<vmem>>
    tpu.enqueue_dma source(%dma_start3A_158 : memref<16x1024xf32, #tpu.memory_space<vmem>>) target(%dma_start3A_155 : memref<16x1024xf32, #tpu.memory_space<hbm>>) target_semaphore(%arg6 : memref<!tpu.dma_semaphore, #tpu.memory_space<semaphore_mem>>)
    %add3A_159 = arith.constant 16 : i32
    %add3A_160 = arith.addi %mul3A_2, %add3A_159 : i32
    %dma_start3A_161 = arith.constant 2 : i32
    %dma_start3A_162 = arith.constant 16 : i32
    %dma_start3A_163 = arith.constant 0 : i32
    %dma_start3A_164 = tpu.memref_slice %arg4[%dma_start3A_162, %dma_start3A_163] : memref<64x1024xf32, #tpu.memory_space<vmem>> -> memref<16x1024xf32, #tpu.memory_space<vmem>>
    %dma_start3A_165 = arith.constant 0 : i32
    %dma_start3A_166 = tpu.memref_slice %arg3[%dma_start3A_161, %add3A_160, %dma_start3A_165] : memref<4x2048x1024xf32, #tpu.memory_space<hbm>> -> memref<1x16x1024xf32, #tpu.memory_space<hbm>>
    %dma_start3A_167 = tpu.memref_squeeze %dma_start3A_166 : memref<1x16x1024xf32, #tpu.memory_space<hbm>> -> memref<16x1024xf32, #tpu.memory_space<hbm>>
    %dma_start3A_168 = arith.constant 0 : i32
    %dma_start3A_169 = tpu.memref_slice %arg3[%dma_start3A_161, %add3A_160, %dma_start3A_168] : memref<4x2048x1024xf32, #tpu.memory_space<hbm>> -> memref<1x16x1024xf32, #tpu.memory_space<hbm>>
    %dma_start3A_170 = tpu.memref_squeeze %dma_start3A_169 : memref<1x16x1024xf32, #tpu.memory_space<hbm>> -> memref<16x1024xf32, #tpu.memory_space<hbm>>
    %dma_start3A_171 = arith.constant 16 : i32
    %dma_start3A_172 = arith.constant 0 : i32
    %dma_start3A_173 = tpu.memref_slice %arg4[%dma_start3A_171, %dma_start3A_172] : memref<64x1024xf32, #tpu.memory_space<vmem>> -> memref<16x1024xf32, #tpu.memory_space<vmem>>
    tpu.enqueue_dma source(%dma_start3A_173 : memref<16x1024xf32, #tpu.memory_space<vmem>>) target(%dma_start3A_170 : memref<16x1024xf32, #tpu.memory_space<hbm>>) target_semaphore(%arg6 : memref<!tpu.dma_semaphore, #tpu.memory_space<semaphore_mem>>)
    %add3A_174 = arith.constant 16 : i32
    %add3A_175 = arith.addi %mul3A_2, %add3A_174 : i32
    %dma_start3A_176 = arith.constant 3 : i32
    %dma_start3A_177 = arith.constant 16 : i32
    %dma_start3A_178 = arith.constant 0 : i32
    %dma_start3A_179 = tpu.memref_slice %arg4[%dma_start3A_177, %dma_start3A_178] : memref<64x1024xf32, #tpu.memory_space<vmem>> -> memref<16x1024xf32, #tpu.memory_space<vmem>>
    %dma_start3A_180 = arith.constant 0 : i32
    %dma_start3A_181 = tpu.memref_slice %arg3[%dma_start3A_176, %add3A_175, %dma_start3A_180] : memref<4x2048x1024xf32, #tpu.memory_space<hbm>> -> memref<1x16x1024xf32, #tpu.memory_space<hbm>>
    %dma_start3A_182 = tpu.memref_squeeze %dma_start3A_181 : memref<1x16x1024xf32, #tpu.memory_space<hbm>> -> memref<16x1024xf32, #tpu.memory_space<hbm>>
    %dma_start3A_183 = arith.constant 0 : i32
    %dma_start3A_184 = tpu.memref_slice %arg3[%dma_start3A_176, %add3A_175, %dma_start3A_183] : memref<4x2048x1024xf32, #tpu.memory_space<hbm>> -> memref<1x16x1024xf32, #tpu.memory_space<hbm>>
    %dma_start3A_185 = tpu.memref_squeeze %dma_start3A_184 : memref<1x16x1024xf32, #tpu.memory_space<hbm>> -> memref<16x1024xf32, #tpu.memory_space<hbm>>
    %dma_start3A_186 = arith.constant 16 : i32
    %dma_start3A_187 = arith.constant 0 : i32
    %dma_start3A_188 = tpu.memref_slice %arg4[%dma_start3A_186, %dma_start3A_187] : memref<64x1024xf32, #tpu.memory_space<vmem>> -> memref<16x1024xf32, #tpu.memory_space<vmem>>
    tpu.enqueue_dma source(%dma_start3A_188 : memref<16x1024xf32, #tpu.memory_space<vmem>>) target(%dma_start3A_185 : memref<16x1024xf32, #tpu.memory_space<hbm>>) target_semaphore(%arg6 : memref<!tpu.dma_semaphore, #tpu.memory_space<semaphore_mem>>)
    %dma_wait3A_189 = arith.constant 32 : i32
    %dma_wait3A_190 = arith.constant 0 : i32
    %dma_wait3A_191 = tpu.memref_slice %arg4[%dma_wait3A_189, %dma_wait3A_190] : memref<64x1024xf32, #tpu.memory_space<vmem>> -> memref<16x1024xf32, #tpu.memory_space<vmem>>
    %dma_wait3A_192 = arith.constant 0 : i32
    %dma_wait3A_193 = tpu.memref_slice %arg2[%add3A_8, %dma_wait3A_192] : memref<8192x1024xf32, #tpu.memory_space<hbm>> -> memref<16x1024xf32, #tpu.memory_space<hbm>>
    %dma_wait3A_194 = arith.constant 32 : i32
    %dma_wait3A_195 = arith.constant 0 : i32
    %dma_wait3A_196 = tpu.memref_slice %arg4[%dma_wait3A_194, %dma_wait3A_195] : memref<64x1024xf32, #tpu.memory_space<vmem>> -> memref<16x1024xf32, #tpu.memory_space<vmem>>
    %dma_wait3A_197 = arith.constant 0 : i32
    %dma_wait3A_198 = tpu.memref_slice %arg2[%add3A_8, %dma_wait3A_197] : memref<8192x1024xf32, #tpu.memory_space<hbm>> -> memref<16x1024xf32, #tpu.memory_space<hbm>>
    tpu.wait_dma2 semaphore(%arg5 : memref<!tpu.dma_semaphore, #tpu.memory_space<semaphore_mem>>) src(%dma_wait3A_198 : memref<16x1024xf32, #tpu.memory_space<hbm>>) dst(%dma_wait3A_196 : memref<16x1024xf32, #tpu.memory_space<vmem>>)
    %add3A_199 = arith.constant 32 : i32
    %add3A_200 = arith.addi %mul3A_2, %add3A_199 : i32
    %dma_start3A_201 = arith.constant 0 : i32
    %dma_start3A_202 = arith.constant 32 : i32
    %dma_start3A_203 = arith.constant 0 : i32
    %dma_start3A_204 = tpu.memref_slice %arg4[%dma_start3A_202, %dma_start3A_203] : memref<64x1024xf32, #tpu.memory_space<vmem>> -> memref<16x1024xf32, #tpu.memory_space<vmem>>
    %dma_start3A_205 = arith.constant 0 : i32
    %dma_start3A_206 = tpu.memref_slice %arg3[%dma_start3A_201, %add3A_200, %dma_start3A_205] : memref<4x2048x1024xf32, #tpu.memory_space<hbm>> -> memref<1x16x1024xf32, #tpu.memory_space<hbm>>
    %dma_start3A_207 = tpu.memref_squeeze %dma_start3A_206 : memref<1x16x1024xf32, #tpu.memory_space<hbm>> -> memref<16x1024xf32, #tpu.memory_space<hbm>>
    %dma_start3A_208 = arith.constant 0 : i32
    %dma_start3A_209 = tpu.memref_slice %arg3[%dma_start3A_201, %add3A_200, %dma_start3A_208] : memref<4x2048x1024xf32, #tpu.memory_space<hbm>> -> memref<1x16x1024xf32, #tpu.memory_space<hbm>>
    %dma_start3A_210 = tpu.memref_squeeze %dma_start3A_209 : memref<1x16x1024xf32, #tpu.memory_space<hbm>> -> memref<16x1024xf32, #tpu.memory_space<hbm>>
    %dma_start3A_211 = arith.constant 32 : i32
    %dma_start3A_212 = arith.constant 0 : i32
    %dma_start3A_213 = tpu.memref_slice %arg4[%dma_start3A_211, %dma_start3A_212] : memref<64x1024xf32, #tpu.memory_space<vmem>> -> memref<16x1024xf32, #tpu.memory_space<vmem>>
    tpu.enqueue_dma source(%dma_start3A_213 : memref<16x1024xf32, #tpu.memory_space<vmem>>) target(%dma_start3A_210 : memref<16x1024xf32, #tpu.memory_space<hbm>>) target_semaphore(%arg6 : memref<!tpu.dma_semaphore, #tpu.memory_space<semaphore_mem>>)
    %add3A_214 = arith.constant 32 : i32
    %add3A_215 = arith.addi %mul3A_2, %add3A_214 : i32
    %dma_start3A_216 = arith.constant 1 : i32
    %dma_start3A_217 = arith.constant 32 : i32
    %dma_start3A_218 = arith.constant 0 : i32
    %dma_start3A_219 = tpu.memref_slice %arg4[%dma_start3A_217, %dma_start3A_218] : memref<64x1024xf32, #tpu.memory_space<vmem>> -> memref<16x1024xf32, #tpu.memory_space<vmem>>
    %dma_start3A_220 = arith.constant 0 : i32
    %dma_start3A_221 = tpu.memref_slice %arg3[%dma_start3A_216, %add3A_215, %dma_start3A_220] : memref<4x2048x1024xf32, #tpu.memory_space<hbm>> -> memref<1x16x1024xf32, #tpu.memory_space<hbm>>
    %dma_start3A_222 = tpu.memref_squeeze %dma_start3A_221 : memref<1x16x1024xf32, #tpu.memory_space<hbm>> -> memref<16x1024xf32, #tpu.memory_space<hbm>>
    %dma_start3A_223 = arith.constant 0 : i32
    %dma_start3A_224 = tpu.memref_slice %arg3[%dma_start3A_216, %add3A_215, %dma_start3A_223] : memref<4x2048x1024xf32, #tpu.memory_space<hbm>> -> memref<1x16x1024xf32, #tpu.memory_space<hbm>>
    %dma_start3A_225 = tpu.memref_squeeze %dma_start3A_224 : memref<1x16x1024xf32, #tpu.memory_space<hbm>> -> memref<16x1024xf32, #tpu.memory_space<hbm>>
    %dma_start3A_226 = arith.constant 32 : i32
    %dma_start3A_227 = arith.constant 0 : i32
    %dma_start3A_228 = tpu.memref_slice %arg4[%dma_start3A_226, %dma_start3A_227] : memref<64x1024xf32, #tpu.memory_space<vmem>> -> memref<16x1024xf32, #tpu.memory_space<vmem>>
    tpu.enqueue_dma source(%dma_start3A_228 : memref<16x1024xf32, #tpu.memory_space<vmem>>) target(%dma_start3A_225 : memref<16x1024xf32, #tpu.memory_space<hbm>>) target_semaphore(%arg6 : memref<!tpu.dma_semaphore, #tpu.memory_space<semaphore_mem>>)
    %add3A_229 = arith.constant 32 : i32
    %add3A_230 = arith.addi %mul3A_2, %add3A_229 : i32
    %dma_start3A_231 = arith.constant 2 : i32
    %dma_start3A_232 = arith.constant 32 : i32
    %dma_start3A_233 = arith.constant 0 : i32
    %dma_start3A_234 = tpu.memref_slice %arg4[%dma_start3A_232, %dma_start3A_233] : memref<64x1024xf32, #tpu.memory_space<vmem>> -> memref<16x1024xf32, #tpu.memory_space<vmem>>
    %dma_start3A_235 = arith.constant 0 : i32
    %dma_start3A_236 = tpu.memref_slice %arg3[%dma_start3A_231, %add3A_230, %dma_start3A_235] : memref<4x2048x1024xf32, #tpu.memory_space<hbm>> -> memref<1x16x1024xf32, #tpu.memory_space<hbm>>
    %dma_start3A_237 = tpu.memref_squeeze %dma_start3A_236 : memref<1x16x1024xf32, #tpu.memory_space<hbm>> -> memref<16x1024xf32, #tpu.memory_space<hbm>>
    %dma_start3A_238 = arith.constant 0 : i32
    %dma_start3A_239 = tpu.memref_slice %arg3[%dma_start3A_231, %add3A_230, %dma_start3A_238] : memref<4x2048x1024xf32, #tpu.memory_space<hbm>> -> memref<1x16x1024xf32, #tpu.memory_space<hbm>>
    %dma_start3A_240 = tpu.memref_squeeze %dma_start3A_239 : memref<1x16x1024xf32, #tpu.memory_space<hbm>> -> memref<16x1024xf32, #tpu.memory_space<hbm>>
    %dma_start3A_241 = arith.constant 32 : i32
    %dma_start3A_242 = arith.constant 0 : i32
    %dma_start3A_243 = tpu.memref_slice %arg4[%dma_start3A_241, %dma_start3A_242] : memref<64x1024xf32, #tpu.memory_space<vmem>> -> memref<16x1024xf32, #tpu.memory_space<vmem>>
    tpu.enqueue_dma source(%dma_start3A_243 : memref<16x1024xf32, #tpu.memory_space<vmem>>) target(%dma_start3A_240 : memref<16x1024xf32, #tpu.memory_space<hbm>>) target_semaphore(%arg6 : memref<!tpu.dma_semaphore, #tpu.memory_space<semaphore_mem>>)
    %add3A_244 = arith.constant 32 : i32
    %add3A_245 = arith.addi %mul3A_2, %add3A_244 : i32
    %dma_start3A_246 = arith.constant 3 : i32
    %dma_start3A_247 = arith.constant 32 : i32
    %dma_start3A_248 = arith.constant 0 : i32
    %dma_start3A_249 = tpu.memref_slice %arg4[%dma_start3A_247, %dma_start3A_248] : memref<64x1024xf32, #tpu.memory_space<vmem>> -> memref<16x1024xf32, #tpu.memory_space<vmem>>
    %dma_start3A_250 = arith.constant 0 : i32
    %dma_start3A_251 = tpu.memref_slice %arg3[%dma_start3A_246, %add3A_245, %dma_start3A_250] : memref<4x2048x1024xf32, #tpu.memory_space<hbm>> -> memref<1x16x1024xf32, #tpu.memory_space<hbm>>
    %dma_start3A_252 = tpu.memref_squeeze %dma_start3A_251 : memref<1x16x1024xf32, #tpu.memory_space<hbm>> -> memref<16x1024xf32, #tpu.memory_space<hbm>>
    %dma_start3A_253 = arith.constant 0 : i32
    %dma_start3A_254 = tpu.memref_slice %arg3[%dma_start3A_246, %add3A_245, %dma_start3A_253] : memref<4x2048x1024xf32, #tpu.memory_space<hbm>> -> memref<1x16x1024xf32, #tpu.memory_space<hbm>>
    %dma_start3A_255 = tpu.memref_squeeze %dma_start3A_254 : memref<1x16x1024xf32, #tpu.memory_space<hbm>> -> memref<16x1024xf32, #tpu.memory_space<hbm>>
    %dma_start3A_256 = arith.constant 32 : i32
    %dma_start3A_257 = arith.constant 0 : i32
    %dma_start3A_258 = tpu.memref_slice %arg4[%dma_start3A_256, %dma_start3A_257] : memref<64x1024xf32, #tpu.memory_space<vmem>> -> memref<16x1024xf32, #tpu.memory_space<vmem>>
    tpu.enqueue_dma source(%dma_start3A_258 : memref<16x1024xf32, #tpu.memory_space<vmem>>) target(%dma_start3A_255 : memref<16x1024xf32, #tpu.memory_space<hbm>>) target_semaphore(%arg6 : memref<!tpu.dma_semaphore, #tpu.memory_space<semaphore_mem>>)
    %dma_wait3A_259 = arith.constant 48 : i32
    %dma_wait3A_260 = arith.constant 0 : i32
    %dma_wait3A_261 = tpu.memref_slice %arg4[%dma_wait3A_259, %dma_wait3A_260] : memref<64x1024xf32, #tpu.memory_space<vmem>> -> memref<16x1024xf32, #tpu.memory_space<vmem>>
    %dma_wait3A_262 = arith.constant 0 : i32
    %dma_wait3A_263 = tpu.memref_slice %arg2[%add3A_10, %dma_wait3A_262] : memref<8192x1024xf32, #tpu.memory_space<hbm>> -> memref<16x1024xf32, #tpu.memory_space<hbm>>
    %dma_wait3A_264 = arith.constant 48 : i32
    %dma_wait3A_265 = arith.constant 0 : i32
    %dma_wait3A_266 = tpu.memref_slice %arg4[%dma_wait3A_264, %dma_wait3A_265] : memref<64x1024xf32, #tpu.memory_space<vmem>> -> memref<16x1024xf32, #tpu.memory_space<vmem>>
    %dma_wait3A_267 = arith.constant 0 : i32
    %dma_wait3A_268 = tpu.memref_slice %arg2[%add3A_10, %dma_wait3A_267] : memref<8192x1024xf32, #tpu.memory_space<hbm>> -> memref<16x1024xf32, #tpu.memory_space<hbm>>
    tpu.wait_dma2 semaphore(%arg5 : memref<!tpu.dma_semaphore, #tpu.memory_space<semaphore_mem>>) src(%dma_wait3A_268 : memref<16x1024xf32, #tpu.memory_space<hbm>>) dst(%dma_wait3A_266 : memref<16x1024xf32, #tpu.memory_space<vmem>>)
    %add3A_269 = arith.constant 48 : i32
    %add3A_270 = arith.addi %mul3A_2, %add3A_269 : i32
    %dma_start3A_271 = arith.constant 0 : i32
    %dma_start3A_272 = arith.constant 48 : i32
    %dma_start3A_273 = arith.constant 0 : i32
    %dma_start3A_274 = tpu.memref_slice %arg4[%dma_start3A_272, %dma_start3A_273] : memref<64x1024xf32, #tpu.memory_space<vmem>> -> memref<16x1024xf32, #tpu.memory_space<vmem>>
    %dma_start3A_275 = arith.constant 0 : i32
    %dma_start3A_276 = tpu.memref_slice %arg3[%dma_start3A_271, %add3A_270, %dma_start3A_275] : memref<4x2048x1024xf32, #tpu.memory_space<hbm>> -> memref<1x16x1024xf32, #tpu.memory_space<hbm>>
    %dma_start3A_277 = tpu.memref_squeeze %dma_start3A_276 : memref<1x16x1024xf32, #tpu.memory_space<hbm>> -> memref<16x1024xf32, #tpu.memory_space<hbm>>
    %dma_start3A_278 = arith.constant 0 : i32
    %dma_start3A_279 = tpu.memref_slice %arg3[%dma_start3A_271, %add3A_270, %dma_start3A_278] : memref<4x2048x1024xf32, #tpu.memory_space<hbm>> -> memref<1x16x1024xf32, #tpu.memory_space<hbm>>
    %dma_start3A_280 = tpu.memref_squeeze %dma_start3A_279 : memref<1x16x1024xf32, #tpu.memory_space<hbm>> -> memref<16x1024xf32, #tpu.memory_space<hbm>>
    %dma_start3A_281 = arith.constant 48 : i32
    %dma_start3A_282 = arith.constant 0 : i32
    %dma_start3A_283 = tpu.memref_slice %arg4[%dma_start3A_281, %dma_start3A_282] : memref<64x1024xf32, #tpu.memory_space<vmem>> -> memref<16x1024xf32, #tpu.memory_space<vmem>>
    tpu.enqueue_dma source(%dma_start3A_283 : memref<16x1024xf32, #tpu.memory_space<vmem>>) target(%dma_start3A_280 : memref<16x1024xf32, #tpu.memory_space<hbm>>) target_semaphore(%arg6 : memref<!tpu.dma_semaphore, #tpu.memory_space<semaphore_mem>>)
    %add3A_284 = arith.constant 48 : i32
    %add3A_285 = arith.addi %mul3A_2, %add3A_284 : i32
    %dma_start3A_286 = arith.constant 1 : i32
    %dma_start3A_287 = arith.constant 48 : i32
    %dma_start3A_288 = arith.constant 0 : i32
    %dma_start3A_289 = tpu.memref_slice %arg4[%dma_start3A_287, %dma_start3A_288] : memref<64x1024xf32, #tpu.memory_space<vmem>> -> memref<16x1024xf32, #tpu.memory_space<vmem>>
    %dma_start3A_290 = arith.constant 0 : i32
    %dma_start3A_291 = tpu.memref_slice %arg3[%dma_start3A_286, %add3A_285, %dma_start3A_290] : memref<4x2048x1024xf32, #tpu.memory_space<hbm>> -> memref<1x16x1024xf32, #tpu.memory_space<hbm>>
    %dma_start3A_292 = tpu.memref_squeeze %dma_start3A_291 : memref<1x16x1024xf32, #tpu.memory_space<hbm>> -> memref<16x1024xf32, #tpu.memory_space<hbm>>
    %dma_start3A_293 = arith.constant 0 : i32
    %dma_start3A_294 = tpu.memref_slice %arg3[%dma_start3A_286, %add3A_285, %dma_start3A_293] : memref<4x2048x1024xf32, #tpu.memory_space<hbm>> -> memref<1x16x1024xf32, #tpu.memory_space<hbm>>
    %dma_start3A_295 = tpu.memref_squeeze %dma_start3A_294 : memref<1x16x1024xf32, #tpu.memory_space<hbm>> -> memref<16x1024xf32, #tpu.memory_space<hbm>>
    %dma_start3A_296 = arith.constant 48 : i32
    %dma_start3A_297 = arith.constant 0 : i32
    %dma_start3A_298 = tpu.memref_slice %arg4[%dma_start3A_296, %dma_start3A_297] : memref<64x1024xf32, #tpu.memory_space<vmem>> -> memref<16x1024xf32, #tpu.memory_space<vmem>>
    tpu.enqueue_dma source(%dma_start3A_298 : memref<16x1024xf32, #tpu.memory_space<vmem>>) target(%dma_start3A_295 : memref<16x1024xf32, #tpu.memory_space<hbm>>) target_semaphore(%arg6 : memref<!tpu.dma_semaphore, #tpu.memory_space<semaphore_mem>>)
    %add3A_299 = arith.constant 48 : i32
    %add3A_300 = arith.addi %mul3A_2, %add3A_299 : i32
    %dma_start3A_301 = arith.constant 2 : i32
    %dma_start3A_302 = arith.constant 48 : i32
    %dma_start3A_303 = arith.constant 0 : i32
    %dma_start3A_304 = tpu.memref_slice %arg4[%dma_start3A_302, %dma_start3A_303] : memref<64x1024xf32, #tpu.memory_space<vmem>> -> memref<16x1024xf32, #tpu.memory_space<vmem>>
    %dma_start3A_305 = arith.constant 0 : i32
    %dma_start3A_306 = tpu.memref_slice %arg3[%dma_start3A_301, %add3A_300, %dma_start3A_305] : memref<4x2048x1024xf32, #tpu.memory_space<hbm>> -> memref<1x16x1024xf32, #tpu.memory_space<hbm>>
    %dma_start3A_307 = tpu.memref_squeeze %dma_start3A_306 : memref<1x16x1024xf32, #tpu.memory_space<hbm>> -> memref<16x1024xf32, #tpu.memory_space<hbm>>
    %dma_start3A_308 = arith.constant 0 : i32
    %dma_start3A_309 = tpu.memref_slice %arg3[%dma_start3A_301, %add3A_300, %dma_start3A_308] : memref<4x2048x1024xf32, #tpu.memory_space<hbm>> -> memref<1x16x1024xf32, #tpu.memory_space<hbm>>
    %dma_start3A_310 = tpu.memref_squeeze %dma_start3A_309 : memref<1x16x1024xf32, #tpu.memory_space<hbm>> -> memref<16x1024xf32, #tpu.memory_space<hbm>>
    %dma_start3A_311 = arith.constant 48 : i32
    %dma_start3A_312 = arith.constant 0 : i32
    %dma_start3A_313 = tpu.memref_slice %arg4[%dma_start3A_311, %dma_start3A_312] : memref<64x1024xf32, #tpu.memory_space<vmem>> -> memref<16x1024xf32, #tpu.memory_space<vmem>>
    tpu.enqueue_dma source(%dma_start3A_313 : memref<16x1024xf32, #tpu.memory_space<vmem>>) target(%dma_start3A_310 : memref<16x1024xf32, #tpu.memory_space<hbm>>) target_semaphore(%arg6 : memref<!tpu.dma_semaphore, #tpu.memory_space<semaphore_mem>>)
    %add3A_314 = arith.constant 48 : i32
    %add3A_315 = arith.addi %mul3A_2, %add3A_314 : i32
    %dma_start3A_316 = arith.constant 3 : i32
    %dma_start3A_317 = arith.constant 48 : i32
    %dma_start3A_318 = arith.constant 0 : i32
    %dma_start3A_319 = tpu.memref_slice %arg4[%dma_start3A_317, %dma_start3A_318] : memref<64x1024xf32, #tpu.memory_space<vmem>> -> memref<16x1024xf32, #tpu.memory_space<vmem>>
    %dma_start3A_320 = arith.constant 0 : i32
    %dma_start3A_321 = tpu.memref_slice %arg3[%dma_start3A_316, %add3A_315, %dma_start3A_320] : memref<4x2048x1024xf32, #tpu.memory_space<hbm>> -> memref<1x16x1024xf32, #tpu.memory_space<hbm>>
    %dma_start3A_322 = tpu.memref_squeeze %dma_start3A_321 : memref<1x16x1024xf32, #tpu.memory_space<hbm>> -> memref<16x1024xf32, #tpu.memory_space<hbm>>
    %dma_start3A_323 = arith.constant 0 : i32
    %dma_start3A_324 = tpu.memref_slice %arg3[%dma_start3A_316, %add3A_315, %dma_start3A_323] : memref<4x2048x1024xf32, #tpu.memory_space<hbm>> -> memref<1x16x1024xf32, #tpu.memory_space<hbm>>
    %dma_start3A_325 = tpu.memref_squeeze %dma_start3A_324 : memref<1x16x1024xf32, #tpu.memory_space<hbm>> -> memref<16x1024xf32, #tpu.memory_space<hbm>>
    %dma_start3A_326 = arith.constant 48 : i32
    %dma_start3A_327 = arith.constant 0 : i32
    %dma_start3A_328 = tpu.memref_slice %arg4[%dma_start3A_326, %dma_start3A_327] : memref<64x1024xf32, #tpu.memory_space<vmem>> -> memref<16x1024xf32, #tpu.memory_space<vmem>>
    tpu.enqueue_dma source(%dma_start3A_328 : memref<16x1024xf32, #tpu.memory_space<vmem>>) target(%dma_start3A_325 : memref<16x1024xf32, #tpu.memory_space<hbm>>) target_semaphore(%arg6 : memref<!tpu.dma_semaphore, #tpu.memory_space<semaphore_mem>>)
    %dma_wait3A_329 = arith.constant 0 : i32
    %dma_wait3A_330 = arith.constant 0 : i32
    %dma_wait3A_331 = arith.constant 0 : i32
    %dma_wait3A_332 = tpu.memref_slice %arg4[%dma_wait3A_330, %dma_wait3A_331] : memref<64x1024xf32, #tpu.memory_space<vmem>> -> memref<16x1024xf32, #tpu.memory_space<vmem>>
    %dma_wait3A_333 = arith.constant 0 : i32
    %dma_wait3A_334 = tpu.memref_slice %arg3[%dma_wait3A_329, %add3A_60, %dma_wait3A_333] : memref<4x2048x1024xf32, #tpu.memory_space<hbm>> -> memref<1x16x1024xf32, #tpu.memory_space<hbm>>
    %dma_wait3A_335 = tpu.memref_squeeze %dma_wait3A_334 : memref<1x16x1024xf32, #tpu.memory_space<hbm>> -> memref<16x1024xf32, #tpu.memory_space<hbm>>
    %dma_wait3A_336 = arith.constant 0 : i32
    %dma_wait3A_337 = tpu.memref_slice %arg3[%dma_wait3A_329, %add3A_60, %dma_wait3A_336] : memref<4x2048x1024xf32, #tpu.memory_space<hbm>> -> memref<1x16x1024xf32, #tpu.memory_space<hbm>>
    %dma_wait3A_338 = tpu.memref_squeeze %dma_wait3A_337 : memref<1x16x1024xf32, #tpu.memory_space<hbm>> -> memref<16x1024xf32, #tpu.memory_space<hbm>>
    %dma_wait3A_339 = arith.constant 0 : i32
    %dma_wait3A_340 = arith.constant 0 : i32
    %dma_wait3A_341 = tpu.memref_slice %arg4[%dma_wait3A_339, %dma_wait3A_340] : memref<64x1024xf32, #tpu.memory_space<vmem>> -> memref<16x1024xf32, #tpu.memory_space<vmem>>
    tpu.wait_dma2 semaphore(%arg6 : memref<!tpu.dma_semaphore, #tpu.memory_space<semaphore_mem>>) src(%dma_wait3A_341 : memref<16x1024xf32, #tpu.memory_space<vmem>>) dst(%dma_wait3A_338 : memref<16x1024xf32, #tpu.memory_space<hbm>>)
    %dma_wait3A_342 = arith.constant 1 : i32
    %dma_wait3A_343 = arith.constant 0 : i32
    %dma_wait3A_344 = arith.constant 0 : i32
    %dma_wait3A_345 = tpu.memref_slice %arg4[%dma_wait3A_343, %dma_wait3A_344] : memref<64x1024xf32, #tpu.memory_space<vmem>> -> memref<16x1024xf32, #tpu.memory_space<vmem>>
    %dma_wait3A_346 = arith.constant 0 : i32
    %dma_wait3A_347 = tpu.memref_slice %arg3[%dma_wait3A_342, %add3A_75, %dma_wait3A_346] : memref<4x2048x1024xf32, #tpu.memory_space<hbm>> -> memref<1x16x1024xf32, #tpu.memory_space<hbm>>
    %dma_wait3A_348 = tpu.memref_squeeze %dma_wait3A_347 : memref<1x16x1024xf32, #tpu.memory_space<hbm>> -> memref<16x1024xf32, #tpu.memory_space<hbm>>
    %dma_wait3A_349 = arith.constant 0 : i32
    %dma_wait3A_350 = tpu.memref_slice %arg3[%dma_wait3A_342, %add3A_75, %dma_wait3A_349] : memref<4x2048x1024xf32, #tpu.memory_space<hbm>> -> memref<1x16x1024xf32, #tpu.memory_space<hbm>>
    %dma_wait3A_351 = tpu.memref_squeeze %dma_wait3A_350 : memref<1x16x1024xf32, #tpu.memory_space<hbm>> -> memref<16x1024xf32, #tpu.memory_space<hbm>>
    %dma_wait3A_352 = arith.constant 0 : i32
    %dma_wait3A_353 = arith.constant 0 : i32
    %dma_wait3A_354 = tpu.memref_slice %arg4[%dma_wait3A_352, %dma_wait3A_353] : memref<64x1024xf32, #tpu.memory_space<vmem>> -> memref<16x1024xf32, #tpu.memory_space<vmem>>
    tpu.wait_dma2 semaphore(%arg6 : memref<!tpu.dma_semaphore, #tpu.memory_space<semaphore_mem>>) src(%dma_wait3A_354 : memref<16x1024xf32, #tpu.memory_space<vmem>>) dst(%dma_wait3A_351 : memref<16x1024xf32, #tpu.memory_space<hbm>>)
    %dma_wait3A_355 = arith.constant 2 : i32
    %dma_wait3A_356 = arith.constant 0 : i32
    %dma_wait3A_357 = arith.constant 0 : i32
    %dma_wait3A_358 = tpu.memref_slice %arg4[%dma_wait3A_356, %dma_wait3A_357] : memref<64x1024xf32, #tpu.memory_space<vmem>> -> memref<16x1024xf32, #tpu.memory_space<vmem>>
    %dma_wait3A_359 = arith.constant 0 : i32
    %dma_wait3A_360 = tpu.memref_slice %arg3[%dma_wait3A_355, %add3A_90, %dma_wait3A_359] : memref<4x2048x1024xf32, #tpu.memory_space<hbm>> -> memref<1x16x1024xf32, #tpu.memory_space<hbm>>
    %dma_wait3A_361 = tpu.memref_squeeze %dma_wait3A_360 : memref<1x16x1024xf32, #tpu.memory_space<hbm>> -> memref<16x1024xf32, #tpu.memory_space<hbm>>
    %dma_wait3A_362 = arith.constant 0 : i32
    %dma_wait3A_363 = tpu.memref_slice %arg3[%dma_wait3A_355, %add3A_90, %dma_wait3A_362] : memref<4x2048x1024xf32, #tpu.memory_space<hbm>> -> memref<1x16x1024xf32, #tpu.memory_space<hbm>>
    %dma_wait3A_364 = tpu.memref_squeeze %dma_wait3A_363 : memref<1x16x1024xf32, #tpu.memory_space<hbm>> -> memref<16x1024xf32, #tpu.memory_space<hbm>>
    %dma_wait3A_365 = arith.constant 0 : i32
    %dma_wait3A_366 = arith.constant 0 : i32
    %dma_wait3A_367 = tpu.memref_slice %arg4[%dma_wait3A_365, %dma_wait3A_366] : memref<64x1024xf32, #tpu.memory_space<vmem>> -> memref<16x1024xf32, #tpu.memory_space<vmem>>
    tpu.wait_dma2 semaphore(%arg6 : memref<!tpu.dma_semaphore, #tpu.memory_space<semaphore_mem>>) src(%dma_wait3A_367 : memref<16x1024xf32, #tpu.memory_space<vmem>>) dst(%dma_wait3A_364 : memref<16x1024xf32, #tpu.memory_space<hbm>>)
    %dma_wait3A_368 = arith.constant 3 : i32
    %dma_wait3A_369 = arith.constant 0 : i32
    %dma_wait3A_370 = arith.constant 0 : i32
    %dma_wait3A_371 = tpu.memref_slice %arg4[%dma_wait3A_369, %dma_wait3A_370] : memref<64x1024xf32, #tpu.memory_space<vmem>> -> memref<16x1024xf32, #tpu.memory_space<vmem>>
    %dma_wait3A_372 = arith.constant 0 : i32
    %dma_wait3A_373 = tpu.memref_slice %arg3[%dma_wait3A_368, %add3A_105, %dma_wait3A_372] : memref<4x2048x1024xf32, #tpu.memory_space<hbm>> -> memref<1x16x1024xf32, #tpu.memory_space<hbm>>
    %dma_wait3A_374 = tpu.memref_squeeze %dma_wait3A_373 : memref<1x16x1024xf32, #tpu.memory_space<hbm>> -> memref<16x1024xf32, #tpu.memory_space<hbm>>
    %dma_wait3A_375 = arith.constant 0 : i32
    %dma_wait3A_376 = tpu.memref_slice %arg3[%dma_wait3A_368, %add3A_105, %dma_wait3A_375] : memref<4x2048x1024xf32, #tpu.memory_space<hbm>> -> memref<1x16x1024xf32, #tpu.memory_space<hbm>>
    %dma_wait3A_377 = tpu.memref_squeeze %dma_wait3A_376 : memref<1x16x1024xf32, #tpu.memory_space<hbm>> -> memref<16x1024xf32, #tpu.memory_space<hbm>>
    %dma_wait3A_378 = arith.constant 0 : i32
    %dma_wait3A_379 = arith.constant 0 : i32
    %dma_wait3A_380 = tpu.memref_slice %arg4[%dma_wait3A_378, %dma_wait3A_379] : memref<64x1024xf32, #tpu.memory_space<vmem>> -> memref<16x1024xf32, #tpu.memory_space<vmem>>
    tpu.wait_dma2 semaphore(%arg6 : memref<!tpu.dma_semaphore, #tpu.memory_space<semaphore_mem>>) src(%dma_wait3A_380 : memref<16x1024xf32, #tpu.memory_space<vmem>>) dst(%dma_wait3A_377 : memref<16x1024xf32, #tpu.memory_space<hbm>>)
    %dma_wait3A_381 = arith.constant 0 : i32
    %dma_wait3A_382 = arith.constant 16 : i32
    %dma_wait3A_383 = arith.constant 0 : i32
    %dma_wait3A_384 = tpu.memref_slice %arg4[%dma_wait3A_382, %dma_wait3A_383] : memref<64x1024xf32, #tpu.memory_space<vmem>> -> memref<16x1024xf32, #tpu.memory_space<vmem>>
    %dma_wait3A_385 = arith.constant 0 : i32
    %dma_wait3A_386 = tpu.memref_slice %arg3[%dma_wait3A_381, %add3A_130, %dma_wait3A_385] : memref<4x2048x1024xf32, #tpu.memory_space<hbm>> -> memref<1x16x1024xf32, #tpu.memory_space<hbm>>
    %dma_wait3A_387 = tpu.memref_squeeze %dma_wait3A_386 : memref<1x16x1024xf32, #tpu.memory_space<hbm>> -> memref<16x1024xf32, #tpu.memory_space<hbm>>
    %dma_wait3A_388 = arith.constant 0 : i32
    %dma_wait3A_389 = tpu.memref_slice %arg3[%dma_wait3A_381, %add3A_130, %dma_wait3A_388] : memref<4x2048x1024xf32, #tpu.memory_space<hbm>> -> memref<1x16x1024xf32, #tpu.memory_space<hbm>>
    %dma_wait3A_390 = tpu.memref_squeeze %dma_wait3A_389 : memref<1x16x1024xf32, #tpu.memory_space<hbm>> -> memref<16x1024xf32, #tpu.memory_space<hbm>>
    %dma_wait3A_391 = arith.constant 16 : i32
    %dma_wait3A_392 = arith.constant 0 : i32
    %dma_wait3A_393 = tpu.memref_slice %arg4[%dma_wait3A_391, %dma_wait3A_392] : memref<64x1024xf32, #tpu.memory_space<vmem>> -> memref<16x1024xf32, #tpu.memory_space<vmem>>
    tpu.wait_dma2 semaphore(%arg6 : memref<!tpu.dma_semaphore, #tpu.memory_space<semaphore_mem>>) src(%dma_wait3A_393 : memref<16x1024xf32, #tpu.memory_space<vmem>>) dst(%dma_wait3A_390 : memref<16x1024xf32, #tpu.memory_space<hbm>>)
    %dma_wait3A_394 = arith.constant 1 : i32
    %dma_wait3A_395 = arith.constant 16 : i32
    %dma_wait3A_396 = arith.constant 0 : i32
    %dma_wait3A_397 = tpu.memref_slice %arg4[%dma_wait3A_395, %dma_wait3A_396] : memref<64x1024xf32, #tpu.memory_space<vmem>> -> memref<16x1024xf32, #tpu.memory_space<vmem>>
    %dma_wait3A_398 = arith.constant 0 : i32
    %dma_wait3A_399 = tpu.memref_slice %arg3[%dma_wait3A_394, %add3A_145, %dma_wait3A_398] : memref<4x2048x1024xf32, #tpu.memory_space<hbm>> -> memref<1x16x1024xf32, #tpu.memory_space<hbm>>
    %dma_wait3A_400 = tpu.memref_squeeze %dma_wait3A_399 : memref<1x16x1024xf32, #tpu.memory_space<hbm>> -> memref<16x1024xf32, #tpu.memory_space<hbm>>
    %dma_wait3A_401 = arith.constant 0 : i32
    %dma_wait3A_402 = tpu.memref_slice %arg3[%dma_wait3A_394, %add3A_145, %dma_wait3A_401] : memref<4x2048x1024xf32, #tpu.memory_space<hbm>> -> memref<1x16x1024xf32, #tpu.memory_space<hbm>>
    %dma_wait3A_403 = tpu.memref_squeeze %dma_wait3A_402 : memref<1x16x1024xf32, #tpu.memory_space<hbm>> -> memref<16x1024xf32, #tpu.memory_space<hbm>>
    %dma_wait3A_404 = arith.constant 16 : i32
    %dma_wait3A_405 = arith.constant 0 : i32
    %dma_wait3A_406 = tpu.memref_slice %arg4[%dma_wait3A_404, %dma_wait3A_405] : memref<64x1024xf32, #tpu.memory_space<vmem>> -> memref<16x1024xf32, #tpu.memory_space<vmem>>
    tpu.wait_dma2 semaphore(%arg6 : memref<!tpu.dma_semaphore, #tpu.memory_space<semaphore_mem>>) src(%dma_wait3A_406 : memref<16x1024xf32, #tpu.memory_space<vmem>>) dst(%dma_wait3A_403 : memref<16x1024xf32, #tpu.memory_space<hbm>>)
    %dma_wait3A_407 = arith.constant 2 : i32
    %dma_wait3A_408 = arith.constant 16 : i32
    %dma_wait3A_409 = arith.constant 0 : i32
    %dma_wait3A_410 = tpu.memref_slice %arg4[%dma_wait3A_408, %dma_wait3A_409] : memref<64x1024xf32, #tpu.memory_space<vmem>> -> memref<16x1024xf32, #tpu.memory_space<vmem>>
    %dma_wait3A_411 = arith.constant 0 : i32
    %dma_wait3A_412 = tpu.memref_slice %arg3[%dma_wait3A_407, %add3A_160, %dma_wait3A_411] : memref<4x2048x1024xf32, #tpu.memory_space<hbm>> -> memref<1x16x1024xf32, #tpu.memory_space<hbm>>
    %dma_wait3A_413 = tpu.memref_squeeze %dma_wait3A_412 : memref<1x16x1024xf32, #tpu.memory_space<hbm>> -> memref<16x1024xf32, #tpu.memory_space<hbm>>
    %dma_wait3A_414 = arith.constant 0 : i32
    %dma_wait3A_415 = tpu.memref_slice %arg3[%dma_wait3A_407, %add3A_160, %dma_wait3A_414] : memref<4x2048x1024xf32, #tpu.memory_space<hbm>> -> memref<1x16x1024xf32, #tpu.memory_space<hbm>>
    %dma_wait3A_416 = tpu.memref_squeeze %dma_wait3A_415 : memref<1x16x1024xf32, #tpu.memory_space<hbm>> -> memref<16x1024xf32, #tpu.memory_space<hbm>>
    %dma_wait3A_417 = arith.constant 16 : i32
    %dma_wait3A_418 = arith.constant 0 : i32
    %dma_wait3A_419 = tpu.memref_slice %arg4[%dma_wait3A_417, %dma_wait3A_418] : memref<64x1024xf32, #tpu.memory_space<vmem>> -> memref<16x1024xf32, #tpu.memory_space<vmem>>
    tpu.wait_dma2 semaphore(%arg6 : memref<!tpu.dma_semaphore, #tpu.memory_space<semaphore_mem>>) src(%dma_wait3A_419 : memref<16x1024xf32, #tpu.memory_space<vmem>>) dst(%dma_wait3A_416 : memref<16x1024xf32, #tpu.memory_space<hbm>>)
    %dma_wait3A_420 = arith.constant 3 : i32
    %dma_wait3A_421 = arith.constant 16 : i32
    %dma_wait3A_422 = arith.constant 0 : i32
    %dma_wait3A_423 = tpu.memref_slice %arg4[%dma_wait3A_421, %dma_wait3A_422] : memref<64x1024xf32, #tpu.memory_space<vmem>> -> memref<16x1024xf32, #tpu.memory_space<vmem>>
    %dma_wait3A_424 = arith.constant 0 : i32
    %dma_wait3A_425 = tpu.memref_slice %arg3[%dma_wait3A_420, %add3A_175, %dma_wait3A_424] : memref<4x2048x1024xf32, #tpu.memory_space<hbm>> -> memref<1x16x1024xf32, #tpu.memory_space<hbm>>
    %dma_wait3A_426 = tpu.memref_squeeze %dma_wait3A_425 : memref<1x16x1024xf32, #tpu.memory_space<hbm>> -> memref<16x1024xf32, #tpu.memory_space<hbm>>
    %dma_wait3A_427 = arith.constant 0 : i32
    %dma_wait3A_428 = tpu.memref_slice %arg3[%dma_wait3A_420, %add3A_175, %dma_wait3A_427] : memref<4x2048x1024xf32, #tpu.memory_space<hbm>> -> memref<1x16x1024xf32, #tpu.memory_space<hbm>>
    %dma_wait3A_429 = tpu.memref_squeeze %dma_wait3A_428 : memref<1x16x1024xf32, #tpu.memory_space<hbm>> -> memref<16x1024xf32, #tpu.memory_space<hbm>>
    %dma_wait3A_430 = arith.constant 16 : i32
    %dma_wait3A_431 = arith.constant 0 : i32
    %dma_wait3A_432 = tpu.memref_slice %arg4[%dma_wait3A_430, %dma_wait3A_431] : memref<64x1024xf32, #tpu.memory_space<vmem>> -> memref<16x1024xf32, #tpu.memory_space<vmem>>
    tpu.wait_dma2 semaphore(%arg6 : memref<!tpu.dma_semaphore, #tpu.memory_space<semaphore_mem>>) src(%dma_wait3A_432 : memref<16x1024xf32, #tpu.memory_space<vmem>>) dst(%dma_wait3A_429 : memref<16x1024xf32, #tpu.memory_space<hbm>>)
    %dma_wait3A_433 = arith.constant 0 : i32
    %dma_wait3A_434 = arith.constant 32 : i32
    %dma_wait3A_435 = arith.constant 0 : i32
    %dma_wait3A_436 = tpu.memref_slice %arg4[%dma_wait3A_434, %dma_wait3A_435] : memref<64x1024xf32, #tpu.memory_space<vmem>> -> memref<16x1024xf32, #tpu.memory_space<vmem>>
    %dma_wait3A_437 = arith.constant 0 : i32
    %dma_wait3A_438 = tpu.memref_slice %arg3[%dma_wait3A_433, %add3A_200, %dma_wait3A_437] : memref<4x2048x1024xf32, #tpu.memory_space<hbm>> -> memref<1x16x1024xf32, #tpu.memory_space<hbm>>
    %dma_wait3A_439 = tpu.memref_squeeze %dma_wait3A_438 : memref<1x16x1024xf32, #tpu.memory_space<hbm>> -> memref<16x1024xf32, #tpu.memory_space<hbm>>
    %dma_wait3A_440 = arith.constant 0 : i32
    %dma_wait3A_441 = tpu.memref_slice %arg3[%dma_wait3A_433, %add3A_200, %dma_wait3A_440] : memref<4x2048x1024xf32, #tpu.memory_space<hbm>> -> memref<1x16x1024xf32, #tpu.memory_space<hbm>>
    %dma_wait3A_442 = tpu.memref_squeeze %dma_wait3A_441 : memref<1x16x1024xf32, #tpu.memory_space<hbm>> -> memref<16x1024xf32, #tpu.memory_space<hbm>>
    %dma_wait3A_443 = arith.constant 32 : i32
    %dma_wait3A_444 = arith.constant 0 : i32
    %dma_wait3A_445 = tpu.memref_slice %arg4[%dma_wait3A_443, %dma_wait3A_444] : memref<64x1024xf32, #tpu.memory_space<vmem>> -> memref<16x1024xf32, #tpu.memory_space<vmem>>
    tpu.wait_dma2 semaphore(%arg6 : memref<!tpu.dma_semaphore, #tpu.memory_space<semaphore_mem>>) src(%dma_wait3A_445 : memref<16x1024xf32, #tpu.memory_space<vmem>>) dst(%dma_wait3A_442 : memref<16x1024xf32, #tpu.memory_space<hbm>>)
    %dma_wait3A_446 = arith.constant 1 : i32
    %dma_wait3A_447 = arith.constant 32 : i32
    %dma_wait3A_448 = arith.constant 0 : i32
    %dma_wait3A_449 = tpu.memref_slice %arg4[%dma_wait3A_447, %dma_wait3A_448] : memref<64x1024xf32, #tpu.memory_space<vmem>> -> memref<16x1024xf32, #tpu.memory_space<vmem>>
    %dma_wait3A_450 = arith.constant 0 : i32
    %dma_wait3A_451 = tpu.memref_slice %arg3[%dma_wait3A_446, %add3A_215, %dma_wait3A_450] : memref<4x2048x1024xf32, #tpu.memory_space<hbm>> -> memref<1x16x1024xf32, #tpu.memory_space<hbm>>
    %dma_wait3A_452 = tpu.memref_squeeze %dma_wait3A_451 : memref<1x16x1024xf32, #tpu.memory_space<hbm>> -> memref<16x1024xf32, #tpu.memory_space<hbm>>
    %dma_wait3A_453 = arith.constant 0 : i32
    %dma_wait3A_454 = tpu.memref_slice %arg3[%dma_wait3A_446, %add3A_215, %dma_wait3A_453] : memref<4x2048x1024xf32, #tpu.memory_space<hbm>> -> memref<1x16x1024xf32, #tpu.memory_space<hbm>>
    %dma_wait3A_455 = tpu.memref_squeeze %dma_wait3A_454 : memref<1x16x1024xf32, #tpu.memory_space<hbm>> -> memref<16x1024xf32, #tpu.memory_space<hbm>>
    %dma_wait3A_456 = arith.constant 32 : i32
    %dma_wait3A_457 = arith.constant 0 : i32
    %dma_wait3A_458 = tpu.memref_slice %arg4[%dma_wait3A_456, %dma_wait3A_457] : memref<64x1024xf32, #tpu.memory_space<vmem>> -> memref<16x1024xf32, #tpu.memory_space<vmem>>
    tpu.wait_dma2 semaphore(%arg6 : memref<!tpu.dma_semaphore, #tpu.memory_space<semaphore_mem>>) src(%dma_wait3A_458 : memref<16x1024xf32, #tpu.memory_space<vmem>>) dst(%dma_wait3A_455 : memref<16x1024xf32, #tpu.memory_space<hbm>>)
    %dma_wait3A_459 = arith.constant 2 : i32
    %dma_wait3A_460 = arith.constant 32 : i32
    %dma_wait3A_461 = arith.constant 0 : i32
    %dma_wait3A_462 = tpu.memref_slice %arg4[%dma_wait3A_460, %dma_wait3A_461] : memref<64x1024xf32, #tpu.memory_space<vmem>> -> memref<16x1024xf32, #tpu.memory_space<vmem>>
    %dma_wait3A_463 = arith.constant 0 : i32
    %dma_wait3A_464 = tpu.memref_slice %arg3[%dma_wait3A_459, %add3A_230, %dma_wait3A_463] : memref<4x2048x1024xf32, #tpu.memory_space<hbm>> -> memref<1x16x1024xf32, #tpu.memory_space<hbm>>
    %dma_wait3A_465 = tpu.memref_squeeze %dma_wait3A_464 : memref<1x16x1024xf32, #tpu.memory_space<hbm>> -> memref<16x1024xf32, #tpu.memory_space<hbm>>
    %dma_wait3A_466 = arith.constant 0 : i32
    %dma_wait3A_467 = tpu.memref_slice %arg3[%dma_wait3A_459, %add3A_230, %dma_wait3A_466] : memref<4x2048x1024xf32, #tpu.memory_space<hbm>> -> memref<1x16x1024xf32, #tpu.memory_space<hbm>>
    %dma_wait3A_468 = tpu.memref_squeeze %dma_wait3A_467 : memref<1x16x1024xf32, #tpu.memory_space<hbm>> -> memref<16x1024xf32, #tpu.memory_space<hbm>>
    %dma_wait3A_469 = arith.constant 32 : i32
    %dma_wait3A_470 = arith.constant 0 : i32
    %dma_wait3A_471 = tpu.memref_slice %arg4[%dma_wait3A_469, %dma_wait3A_470] : memref<64x1024xf32, #tpu.memory_space<vmem>> -> memref<16x1024xf32, #tpu.memory_space<vmem>>
    tpu.wait_dma2 semaphore(%arg6 : memref<!tpu.dma_semaphore, #tpu.memory_space<semaphore_mem>>) src(%dma_wait3A_471 : memref<16x1024xf32, #tpu.memory_space<vmem>>) dst(%dma_wait3A_468 : memref<16x1024xf32, #tpu.memory_space<hbm>>)
    %dma_wait3A_472 = arith.constant 3 : i32
    %dma_wait3A_473 = arith.constant 32 : i32
    %dma_wait3A_474 = arith.constant 0 : i32
    %dma_wait3A_475 = tpu.memref_slice %arg4[%dma_wait3A_473, %dma_wait3A_474] : memref<64x1024xf32, #tpu.memory_space<vmem>> -> memref<16x1024xf32, #tpu.memory_space<vmem>>
    %dma_wait3A_476 = arith.constant 0 : i32
    %dma_wait3A_477 = tpu.memref_slice %arg3[%dma_wait3A_472, %add3A_245, %dma_wait3A_476] : memref<4x2048x1024xf32, #tpu.memory_space<hbm>> -> memref<1x16x1024xf32, #tpu.memory_space<hbm>>
    %dma_wait3A_478 = tpu.memref_squeeze %dma_wait3A_477 : memref<1x16x1024xf32, #tpu.memory_space<hbm>> -> memref<16x1024xf32, #tpu.memory_space<hbm>>
    %dma_wait3A_479 = arith.constant 0 : i32
    %dma_wait3A_480 = tpu.memref_slice %arg3[%dma_wait3A_472, %add3A_245, %dma_wait3A_479] : memref<4x2048x1024xf32, #tpu.memory_space<hbm>> -> memref<1x16x1024xf32, #tpu.memory_space<hbm>>
    %dma_wait3A_481 = tpu.memref_squeeze %dma_wait3A_480 : memref<1x16x1024xf32, #tpu.memory_space<hbm>> -> memref<16x1024xf32, #tpu.memory_space<hbm>>
    %dma_wait3A_482 = arith.constant 32 : i32
    %dma_wait3A_483 = arith.constant 0 : i32
    %dma_wait3A_484 = tpu.memref_slice %arg4[%dma_wait3A_482, %dma_wait3A_483] : memref<64x1024xf32, #tpu.memory_space<vmem>> -> memref<16x1024xf32, #tpu.memory_space<vmem>>
    tpu.wait_dma2 semaphore(%arg6 : memref<!tpu.dma_semaphore, #tpu.memory_space<semaphore_mem>>) src(%dma_wait3A_484 : memref<16x1024xf32, #tpu.memory_space<vmem>>) dst(%dma_wait3A_481 : memref<16x1024xf32, #tpu.memory_space<hbm>>)
    %dma_wait3A_485 = arith.constant 0 : i32
    %dma_wait3A_486 = arith.constant 48 : i32
    %dma_wait3A_487 = arith.constant 0 : i32
    %dma_wait3A_488 = tpu.memref_slice %arg4[%dma_wait3A_486, %dma_wait3A_487] : memref<64x1024xf32, #tpu.memory_space<vmem>> -> memref<16x1024xf32, #tpu.memory_space<vmem>>
    %dma_wait3A_489 = arith.constant 0 : i32
    %dma_wait3A_490 = tpu.memref_slice %arg3[%dma_wait3A_485, %add3A_270, %dma_wait3A_489] : memref<4x2048x1024xf32, #tpu.memory_space<hbm>> -> memref<1x16x1024xf32, #tpu.memory_space<hbm>>
    %dma_wait3A_491 = tpu.memref_squeeze %dma_wait3A_490 : memref<1x16x1024xf32, #tpu.memory_space<hbm>> -> memref<16x1024xf32, #tpu.memory_space<hbm>>
    %dma_wait3A_492 = arith.constant 0 : i32
    %dma_wait3A_493 = tpu.memref_slice %arg3[%dma_wait3A_485, %add3A_270, %dma_wait3A_492] : memref<4x2048x1024xf32, #tpu.memory_space<hbm>> -> memref<1x16x1024xf32, #tpu.memory_space<hbm>>
    %dma_wait3A_494 = tpu.memref_squeeze %dma_wait3A_493 : memref<1x16x1024xf32, #tpu.memory_space<hbm>> -> memref<16x1024xf32, #tpu.memory_space<hbm>>
    %dma_wait3A_495 = arith.constant 48 : i32
    %dma_wait3A_496 = arith.constant 0 : i32
    %dma_wait3A_497 = tpu.memref_slice %arg4[%dma_wait3A_495, %dma_wait3A_496] : memref<64x1024xf32, #tpu.memory_space<vmem>> -> memref<16x1024xf32, #tpu.memory_space<vmem>>
    tpu.wait_dma2 semaphore(%arg6 : memref<!tpu.dma_semaphore, #tpu.memory_space<semaphore_mem>>) src(%dma_wait3A_497 : memref<16x1024xf32, #tpu.memory_space<vmem>>) dst(%dma_wait3A_494 : memref<16x1024xf32, #tpu.memory_space<hbm>>)
    %dma_wait3A_498 = arith.constant 1 : i32
    %dma_wait3A_499 = arith.constant 48 : i32
    %dma_wait3A_500 = arith.constant 0 : i32
    %dma_wait3A_501 = tpu.memref_slice %arg4[%dma_wait3A_499, %dma_wait3A_500] : memref<64x1024xf32, #tpu.memory_space<vmem>> -> memref<16x1024xf32, #tpu.memory_space<vmem>>
    %dma_wait3A_502 = arith.constant 0 : i32
    %dma_wait3A_503 = tpu.memref_slice %arg3[%dma_wait3A_498, %add3A_285, %dma_wait3A_502] : memref<4x2048x1024xf32, #tpu.memory_space<hbm>> -> memref<1x16x1024xf32, #tpu.memory_space<hbm>>
    %dma_wait3A_504 = tpu.memref_squeeze %dma_wait3A_503 : memref<1x16x1024xf32, #tpu.memory_space<hbm>> -> memref<16x1024xf32, #tpu.memory_space<hbm>>
    %dma_wait3A_505 = arith.constant 0 : i32
    %dma_wait3A_506 = tpu.memref_slice %arg3[%dma_wait3A_498, %add3A_285, %dma_wait3A_505] : memref<4x2048x1024xf32, #tpu.memory_space<hbm>> -> memref<1x16x1024xf32, #tpu.memory_space<hbm>>
    %dma_wait3A_507 = tpu.memref_squeeze %dma_wait3A_506 : memref<1x16x1024xf32, #tpu.memory_space<hbm>> -> memref<16x1024xf32, #tpu.memory_space<hbm>>
    %dma_wait3A_508 = arith.constant 48 : i32
    %dma_wait3A_509 = arith.constant 0 : i32
    %dma_wait3A_510 = tpu.memref_slice %arg4[%dma_wait3A_508, %dma_wait3A_509] : memref<64x1024xf32, #tpu.memory_space<vmem>> -> memref<16x1024xf32, #tpu.memory_space<vmem>>
    tpu.wait_dma2 semaphore(%arg6 : memref<!tpu.dma_semaphore, #tpu.memory_space<semaphore_mem>>) src(%dma_wait3A_510 : memref<16x1024xf32, #tpu.memory_space<vmem>>) dst(%dma_wait3A_507 : memref<16x1024xf32, #tpu.memory_space<hbm>>)
    %dma_wait3A_511 = arith.constant 2 : i32
    %dma_wait3A_512 = arith.constant 48 : i32
    %dma_wait3A_513 = arith.constant 0 : i32
    %dma_wait3A_514 = tpu.memref_slice %arg4[%dma_wait3A_512, %dma_wait3A_513] : memref<64x1024xf32, #tpu.memory_space<vmem>> -> memref<16x1024xf32, #tpu.memory_space<vmem>>
    %dma_wait3A_515 = arith.constant 0 : i32
    %dma_wait3A_516 = tpu.memref_slice %arg3[%dma_wait3A_511, %add3A_300, %dma_wait3A_515] : memref<4x2048x1024xf32, #tpu.memory_space<hbm>> -> memref<1x16x1024xf32, #tpu.memory_space<hbm>>
    %dma_wait3A_517 = tpu.memref_squeeze %dma_wait3A_516 : memref<1x16x1024xf32, #tpu.memory_space<hbm>> -> memref<16x1024xf32, #tpu.memory_space<hbm>>
    %dma_wait3A_518 = arith.constant 0 : i32
    %dma_wait3A_519 = tpu.memref_slice %arg3[%dma_wait3A_511, %add3A_300, %dma_wait3A_518] : memref<4x2048x1024xf32, #tpu.memory_space<hbm>> -> memref<1x16x1024xf32, #tpu.memory_space<hbm>>
    %dma_wait3A_520 = tpu.memref_squeeze %dma_wait3A_519 : memref<1x16x1024xf32, #tpu.memory_space<hbm>> -> memref<16x1024xf32, #tpu.memory_space<hbm>>
    %dma_wait3A_521 = arith.constant 48 : i32
    %dma_wait3A_522 = arith.constant 0 : i32
    %dma_wait3A_523 = tpu.memref_slice %arg4[%dma_wait3A_521, %dma_wait3A_522] : memref<64x1024xf32, #tpu.memory_space<vmem>> -> memref<16x1024xf32, #tpu.memory_space<vmem>>
    tpu.wait_dma2 semaphore(%arg6 : memref<!tpu.dma_semaphore, #tpu.memory_space<semaphore_mem>>) src(%dma_wait3A_523 : memref<16x1024xf32, #tpu.memory_space<vmem>>) dst(%dma_wait3A_520 : memref<16x1024xf32, #tpu.memory_space<hbm>>)
    %dma_wait3A_524 = arith.constant 3 : i32
    %dma_wait3A_525 = arith.constant 48 : i32
    %dma_wait3A_526 = arith.constant 0 : i32
    %dma_wait3A_527 = tpu.memref_slice %arg4[%dma_wait3A_525, %dma_wait3A_526] : memref<64x1024xf32, #tpu.memory_space<vmem>> -> memref<16x1024xf32, #tpu.memory_space<vmem>>
    %dma_wait3A_528 = arith.constant 0 : i32
    %dma_wait3A_529 = tpu.memref_slice %arg3[%dma_wait3A_524, %add3A_315, %dma_wait3A_528] : memref<4x2048x1024xf32, #tpu.memory_space<hbm>> -> memref<1x16x1024xf32, #tpu.memory_space<hbm>>
    %dma_wait3A_530 = tpu.memref_squeeze %dma_wait3A_529 : memref<1x16x1024xf32, #tpu.memory_space<hbm>> -> memref<16x1024xf32, #tpu.memory_space<hbm>>
    %dma_wait3A_531 = arith.constant 0 : i32
    %dma_wait3A_532 = tpu.memref_slice %arg3[%dma_wait3A_524, %add3A_315, %dma_wait3A_531] : memref<4x2048x1024xf32, #tpu.memory_space<hbm>> -> memref<1x16x1024xf32, #tpu.memory_space<hbm>>
    %dma_wait3A_533 = tpu.memref_squeeze %dma_wait3A_532 : memref<1x16x1024xf32, #tpu.memory_space<hbm>> -> memref<16x1024xf32, #tpu.memory_space<hbm>>
    %dma_wait3A_534 = arith.constant 48 : i32
    %dma_wait3A_535 = arith.constant 0 : i32
    %dma_wait3A_536 = tpu.memref_slice %arg4[%dma_wait3A_534, %dma_wait3A_535] : memref<64x1024xf32, #tpu.memory_space<vmem>> -> memref<16x1024xf32, #tpu.memory_space<vmem>>
    tpu.wait_dma2 semaphore(%arg6 : memref<!tpu.dma_semaphore, #tpu.memory_space<semaphore_mem>>) src(%dma_wait3A_536 : memref<16x1024xf32, #tpu.memory_space<vmem>>) dst(%dma_wait3A_533 : memref<16x1024xf32, #tpu.memory_space<hbm>>)
    return
  }
}

</mosaic_0001>

<sc_bundles>
// kernel: kernel.3.cloned.1.call-start
scs
__scs_entry_jumppad:
0x0: {  	(pc) =	sbr.rel $0x88, $3  }
0x1: {  	(tag) =	ssettag $0x0;
	lr =	simm.s32 $0x1  }
0x2: {  	[smem:$0x3FA0] =	sst lr;
	_ =	strace $0xD0000000  }
0x3: {  	_ = 	snop  }
0x4: {  	_ = 	snop  }
0x5: {  	_ = 	snop  }
0x6: {  	_ = 	snop  }
0x7: {  	_ = 	snop  }
__scs_overlays_trampoline_lowered:
0x8: {  	[smem:$0x3FAF] =	sst s0  }
0x9: {  	[smem:$0x3FB0] =	sst s1  }
0xa: {  	[smem:$0x3FB1] =	sst s2  }
0xb: {  	[smem:$0x3FB2] =	sst s3  }
0xc: {  	[smem:$0x3FB3] =	sst s4  }
0xd: {  	[smem:$0x3FB4] =	sst s5  }
0xe: {  	[smem:$0x3FB5] =	sst s6  }
0xf: {  	[smem:$0x3FB6] =	sst s7  }
0x10: {  	[smem:$0x3FB7] =	sst s8  }
0x11: {  	[smem:$0x3FB8] =	sst s9;
	s0 =	simm.s32 @!p0 $0x0  }
0x12: {  	s1 =	sld [smem:$0x3F9E];
	s0 =	simm.s32 @p0 $0x1  }
0x13: {  	[smem:$0x3FB9] =	sst s0;
	s0 =	simm.s32 @!p1 $0x0  }
0x14: {  	s2 =	sld [smem:$0x3F9D];
	s0 =	simm.s32 @p1 $0x1  }
0x15: {  	[smem:$0x3FBA] =	sst s0;
	s0 =	simm.s32 @!p2 $0x0  }
0x16: {  	s3 =	sld [smem:$0x3FDB];
	s0 =	simm.s32 @p2 $0x1  }
0x17: {  	s4 =	simm.s32 $0x1BF5;
	[smem:$0x3FBC] =	sst s0  }
0x18: {  	s0 =	sld [smem:$0x3F9F];
	_ =	swait.ge [sflag:s4], $0x0  }
0x19: {  	s7 =	sld [smem:$0x3FA0]  }
0x1a: {  	s8 =	sadd.s32 $0xFFFFE003, lr  }
0x1b: {  	s9 =	sadd.s32 $0xFFFFFEF7, lr;
	s5 =	simm.s32 $0xFFFFFFFF;
	p2 =	slt.u32 s8, $0xFFFFF086  }
0x1c: {  	p1 =	slt.u32 s9, $0xF7A;
	s5 =	simm.s32 @!p2 $0x0  }
0x1d: {  	s5 =	simm.s32 @p1 $0x1;
	p0 =	seq.s32 s7, s2  }
0x1e: {  	s7 =	smul.u32 @!p0 $0xF7A, s2;
	p2 =	seq.s32 @!p0 s5, $0x0  }
0x1f: {  	s9 =	smul.u32 $0xF7A, s1;
	s8 =	simm.s32 @!p0 $0x1BF5;
	p2 =	por !p2, p0  }
0x20: {  	[sflag:s8] =	ssyncset.s32 @!p0 $0xFFFFF086;
	s6 =	sadd.s32 @!p0 s3, s7;
	s7 =	simm.s32 @!p0 $0x108  }
0x21: {  	s3 =	sadd.s32 s3, s9;
	s6 =	sadd.s32 @!p0 $0x88, s6;
	s7 =	simm.s32 @p2 $0x1082  }
0x22: {  	[simem:s7], [sflag:s8] =	dma.local @!p0 [hbm:s6], $0xF7A  }
0x23: {  	s9 =	sor.u32 $0xD0000000, s2;
	s6 =	simm.s32 $0x108;
	_ =	swait.ge @!p0 [sflag:s8], $0x0  }
0x24: {  	s3 =	sadd.s32 $0x88, s3;
	s6 =	simm.s32 @!p1 $0x1082;
	[sflag:s4] =	ssyncset.s32 $0xFFFFF086  }
0x25: {  	[simem:s6], [sflag:s4] =	dma.local [hbm:s3], $0xF7A  }
0x26: {  	[smem:$0x3FA0] =	sst s1;
	(tag) =	ssettag s2;
	_ =	strace s9  }
0x27: {  	s1 =	sld [smem:$0x3FB0]  }
0x28: {  	s2 =	sld [smem:$0x3FB1]  }
0x29: {  	s4 =	sld [smem:$0x3FB3]  }
0x2a: {  	p0 =	seq.s32 s5, $0x0;
	s5 =	sld [smem:$0x3FB4]  }
0x2b: {  	s6 =	sld [smem:$0x3FB5]  }
0x2c: {  	s7 =	sld [smem:$0x3FB6]  }
0x2d: {  	s3 =	simm.s32 $0x108;
	s8 =	sld [smem:$0x3FB7]  }
0x2e: {  	s3 =	simm.s32 @!p0 $0x1082;
	s9 =	sld [smem:$0x3FB8]  }
0x2f: {  	lr =	sadd.s32 s0, s3;
	s0 =	sld [smem:$0x3FAF]  }
0x30: {  	s3 =	sld [smem:$0x3FB2]  }
0x31: {  	[smem:$0x3FBB] =	sst s10  }
0x32: {  	s10 =	sld [smem:$0x3FB9];
	_ =	sdelay $0x3  }
0x33: {  	p0 =	seq.s32 s10, $0x1;
	s10 =	sld [smem:$0x3FBB];
	_ =	sdelay $0x3  }
0x34: {  	[smem:$0x3FBB] =	sst s10  }
0x35: {  	s10 =	sld [smem:$0x3FBA];
	_ =	sdelay $0x3  }
0x36: {  	p1 =	seq.s32 s10, $0x1;
	s10 =	sld [smem:$0x3FBB];
	_ =	sdelay $0x3  }
0x37: {  	[smem:$0x3FBB] =	sst s10  }
0x38: {  	s10 =	sld [smem:$0x3FBC]  }
0x39: {  	_ = 	snop;
	(pc) =	sbr.ind lr, $3  }
0x3a: {  	_ = 	snop  }
0x3b: {  	_ = 	snop  }
0x3c: {  	p2 =	seq.s32 s10, $0x1;
	s10 =	sld [smem:$0x3FBB]  }
0x3d: {  	_ =	shalt  }
0x3e: {  	_ =	shalt  }
0x3f: {  	_ =	shalt  }
0x40: {  	_ =	shalt  }
0x41: {  	_ =	shalt  }
0x42: {  	_ =	shalt  }
0x43: {  	_ =	shalt  }
0x44: {  	_ =	shalt  }
0x45: {  	_ =	shalt  }
0x46: {  	_ =	shalt  }
0x47: {  	_ =	shalt  }
0x48: {  	_ =	shalt  }
0x49: {  	_ =	shalt  }
0x4a: {  	_ =	shalt  }
0x4b: {  	_ =	shalt  }
0x4c: {  	_ =	shalt  }
0x4d: {  	_ =	shalt  }
0x4e: {  	_ =	shalt  }
0x4f: {  	_ =	shalt  }
0x50: {  	_ =	shalt  }
0x51: {  	_ =	shalt  }
0x52: {  	_ =	shalt  }
0x53: {  	_ =	shalt  }
0x54: {  	_ =	shalt  }
0x55: {  	_ =	shalt  }
0x56: {  	_ =	shalt  }
0x57: {  	_ =	shalt  }
0x58: {  	_ =	shalt  }
0x59: {  	_ =	shalt  }
0x5a: {  	_ =	shalt  }
0x5b: {  	_ =	shalt  }
0x5c: {  	_ =	shalt  }
0x5d: {  	_ =	shalt  }
0x5e: {  	_ =	shalt  }
0x5f: {  	_ =	shalt  }
0x60: {  	_ =	shalt  }
0x61: {  	_ =	shalt  }
0x62: {  	_ =	shalt  }
0x63: {  	_ =	shalt  }
0x64: {  	_ =	shalt  }
0x65: {  	_ =	shalt  }
0x66: {  	_ =	shalt  }
0x67: {  	_ =	shalt  }
0x68: {  	_ =	shalt  }
0x69: {  	_ =	shalt  }
0x6a: {  	_ =	shalt  }
0x6b: {  	_ =	shalt  }
0x6c: {  	_ =	shalt  }
0x6d: {  	_ =	shalt  }
0x6e: {  	_ =	shalt  }
0x6f: {  	_ =	shalt  }
0x70: {  	_ =	shalt  }
0x71: {  	_ =	shalt  }
0x72: {  	_ =	shalt  }
0x73: {  	_ =	shalt  }
0x74: {  	_ =	shalt  }
0x75: {  	_ =	shalt  }
0x76: {  	_ =	shalt  }
0x77: {  	_ =	shalt  }
0x78: {  	_ =	shalt  }
0x79: {  	_ =	shalt  }
0x7a: {  	_ =	shalt  }
0x7b: {  	_ =	shalt  }
0x7c: {  	_ =	shalt  }
0x7d: {  	_ =	shalt  }
0x7e: {  	_ =	shalt  }
0x7f: {  	_ =	shalt  }
0x80: {  	_ =	shalt  }
0x81: {  	_ =	shalt  }
0x82: {  	_ =	shalt  }
0x83: {  	_ =	shalt  }
0x84: {  	_ =	shalt  }
0x85: {  	_ =	shalt  }
0x86: {  	_ =	shalt  }
0x87: {  	_ =	shalt  }
.Lfunc_end0:
.L_simem_size_0:
called_computation_lowered:
.L_overlay_start_0:
0x88: {  	s2 =	sld [smem:$0x3FD9]  }
0x89: {  	s3 =	sld [smem:$0x3FFE];
	_ =	sdelay $0x1  }
0x8a: {  	s1 =	srdreg.scid  }
0x8b: {  	s0 =	sand.u32 $0x1, s1  }
0x8c: {  	s18 =	sshll.u32 s0, $0xA;
	s2 =	sadd.s32 s3, s2  }
0x8d: {  	s2 =	sadd.s32 s2, s18  }
0x8e: {  	[smem:$0x3FC7] =	sst s2  }
0x8f: {  	_ = 	snop  }
0x90: {  	s2 =	sld [smem:$0x3FC9]  }
0x91: {  	s19 =	sld [smem:$0x3FD0];
	(tm) =	ssettm $0x1  }
0x92: {  	s4 =	sld [smem:$0x3FFB];
	_ =	sdelay $0x3  }
0x93: {  	_ =	strace s4  }
0x94: {  	s4 =	sld [smem:$0x3FFC];
	_ =	sdelay $0x3  }
0x95: {  	_ =	strace s4  }
0x96: {  	s4 =	sld [smem:$0x3FFD];
	_ =	sdelay $0x3  }
0x97: {  	_ =	strace s4  }
0x98: {  	_ =	strace $0x8FFFFFFF  }
0x99: {  	s20 =	sld [smem:$0x3FDB];
	_ =	sdelay $0x1  }
0x9a: {  	s5 =	simm.s32 $_scs_section_size  }
0x9b: {  	s6 =	simm.s32 $_size__tile_overlayer_lowered;
	s7 =	simm.s32 $_tile_overlayer_lowered  }
0x9c: {  	s23 =	simm.s32 $0x1BFF;
	s22 =	sshll.u32 s7, $0x1;
	s4 =	sadd.s32 s5, s20  }
0x9d: {  	s8 =	simm.s32 $0x0;
	s21 =	sshll.u32 s6, $0x1;
	s6 =	sadd.s32 s22, s4  }
0x9e: {  	[timem:s8], [sflag:s23] =	dma.local [hbm:s6], s21  }
0x9f: {  	_ =	swait.ge [sflag:s23], s21  }
0xa0: {  	s5 =	ssub.s32 $0x0, s21;
	[sflag:s23] =	ssyncset.done $0x0  }
0xa1: {  	[sflag:s23] =	ssyncadd.s32 s5;
	_ =	sdelay $0x1  }
0xa2: {  	s24 =	simm.s32 $0x1B8B  }
0xa3: {  	_ =	swait.ge [sflag:s24], $0x1  }
0xa4: {  	[sflag:s24] =	ssyncset.done $0x0  }
0xa5: {  	s25 =	simm.s32 $0x1B8E;
	[sflag:s24] =	ssyncadd.s32 $0xFFFFFFFF  }
0xa6: {  	s26 =	simm.s32 $execute0_lowered;
	[smem:$0x3FD2] =	sst s25  }
0xa7: {  	s5 =	sshll.u32 s26, $0x1;
	_ =	strace $0x80000046;
	[dreg:$0x1] =	wrdreg $0xFFFFFFFF  }
0xa8: {  	s28 =	simm.s32 $_size_execute0_lowered;
	s4 =	sadd.s32 s4, s5;
	[dreg:$0x0] =	wrdreg $0x0  }
0xa9: {  	s5 =	sshll.u32 s28, $0x1;
	[dreg:$0x2] =	wrdreg s4  }
0xaa: {  	[dreg:$0x3] =	wrdreg s5  }
0xab: {  	[dreg:$0x4] =	wrdreg $0xC0  }
0xac: {  	_ =	task [dreg:s8], $0x5FFFF  }
0xad: {  	[dreg:$0x1] =	wrdreg $0xFFFFFFFF  }
0xae: {  	[dreg:$0x0] =	wrdreg $0x60  }
0xaf: {  	[dreg:$0x2] =	wrdreg s2  }
0xb0: {  	[dreg:$0x3] =	wrdreg s19  }
0xb1: {  	[dreg:$0x4] =	wrdreg $0x9  }
0xb2: {  	_ =	task.clear_ibuf [dreg:s8], $0x5FFFF;
	_ =	strace $0x90000046  }
0xb3: {  	s29 =	simm.s32 $0x9;
	_ =	strace $0x80000048  }
0xb4: {  	_ =	swait.ge [sflag:s29], $0x1  }
0xb5: {  	[sflag:s29] =	ssyncadd.s32 $0xFFFFFFFF  }
0xb6: {  	_ =	strace $0x90000048  }
0xb7: {  	_ =	sfence  }
0xb8: {  	s30 =	sld [smem:$0x0];
	_ =	sdelay $0x2  }
0xb9: {  	s31 =	sshll.u32 s1, $0xD;
	s1 =	sshrl.u32 s1, $0x2  }
0xba: {  	s3 =	sand.u32 $0x4000, s31;
	s1 =	sadd.s32 s1, s30  }
0xbb: {  	s0 =	sor.u32 s3, s0;
	s1 =	sshll.u32 s1, $0x11  }
0xbc: {  	s0 =	sor.u32 s1, s0  }
0xbd: {  	s0 =	sadd.s32 $0x8F2B, s0  }
0xbe: {  	[sflag:s0] =	ssyncadd.remote.s32 $0x1  }
0xbf: {  	_ =	sfence.sel $0xFFFF  }
0xc0: {  	[dreg:$0x0] =	wrdreg $0xFFFFFFFF;
	(pc) =	sbr.abs _section_cstart, $3  }
0xc1: {  	[dreg:$0x1] =	wrdreg $0xFFFFFFFF  }
0xc2: {  	_ =	task.clear_ibuf [dreg:s8], $0x2FFFF;
	_ =	strace $0x9FFFFFFF  }
0xc3: {  	(tm) =	ssettm $0x7FFFFFFF  }
tec
execute0_lowered:
.L_overlay_start_1:
0x0: {  	(tag) =	ssettag $0x1  }
0x1: {  	s8 =	rddreg [dreg:$0x0]  }
0x2: {  	s23 =	rddreg [dreg:$0x1];
	s2 =	srdreg.scid  }
0x3: {  	s0 =	rddreg [dreg:$0x2];
	s1 =	stileid.u32;
	s29 =	sand.u32 $0x1, s2  }
0x4: {  	s2 =	simm.s32 $0x0;
	s3 =	sshll.u32 s1, $0xE;
	s4 =	sshll.u32 s29, $0xD  }
0x5: {  	[smem:$0x7FF] =	sst s2;
	s11 =	sor.u32 s4, s3  }
0x6: {  	_ =	strace $0x80000047;
	s3 =	sadd.s32 s8, s11;
	s15 =	sor.u32 $0x800, s11  }
0x7: {  	[tilespmem:s2], [sflag:$0x1] =	stream.linear.gather [hbm4b:s3+s2], $0x4000, $0x38;
	[tilespmem:$0x10000] =	vst v63  }
0x8: {  	s5 =	simm.s32 $0x4000;
	s19 =	sor.u32 $0x1000, s11;
	s4 =	sadd.s32 s8, s15  }
0x9: {  	[tilespmem:s5], [sflag:$0x1] =	stream.linear.gather [hbm4b:s4+s2], $0x4000, $0x38;
	[tilespmem:$0x10000] =	vst v63  }
0xa: {  	s7 =	simm.s32 $0x8000;
	s24 =	sor.u32 $0x1800, s11;
	s6 =	sadd.s32 s8, s19  }
0xb: {  	[tilespmem:s7], [sflag:$0x1] =	stream.linear.gather [hbm4b:s6+s2], $0x4000, $0x38;
	[tilespmem:$0x10000] =	vst v63  }
0xc: {  	s9 =	simm.s32 $0xC000;
	s10 =	simm.s32 $0x1;
	s8 =	sadd.s32 s8, s24  }
0xd: {  	[tilespmem:s9], [sflag:$0x1] =	stream.linear.gather [hbm4b:s8+s2], $0x4000, $0x38;
	[tilespmem:$0x10000] =	vst v63  }
0xe: {  	_ =	swait.ge [sflag:s10], $0x4000  }
0xf: {  	[sflag:s10] =	ssyncset.done $0x0  }
0x10: {  	s11 =	sadd.s32 s23, s11;
	[sflag:s10] =	ssyncadd.s32 $0xFFFFC000  }
0x11: {  	[hbm4b:s11+s2] =	stream.linear.scatter [tilespmem:s2], [sflag:$0x2], $0x4000, $0x38;
	[tilespmem:$0x10000] =	vst v63  }
0x12: {  	s12 =	sadd.s32 $0x40000, s11  }
0x13: {  	[hbm4b:s12+s2] =	stream.linear.scatter [tilespmem:s2], [sflag:$0x2], $0x4000, $0x38;
	[tilespmem:$0x10000] =	vst v63  }
0x14: {  	s13 =	sadd.s32 $0x80000, s11  }
0x15: {  	[hbm4b:s13+s2] =	stream.linear.scatter [tilespmem:s2], [sflag:$0x2], $0x4000, $0x38;
	[tilespmem:$0x10000] =	vst v63  }
0x16: {  	s14 =	sadd.s32 $0xC0000, s11  }
0x17: {  	[hbm4b:s14+s2] =	stream.linear.scatter [tilespmem:s2], [sflag:$0x2], $0x4000, $0x38;
	[tilespmem:$0x10000] =	vst v63  }
0x18: {  	_ =	swait.ge [sflag:s10], $0x4000  }
0x19: {  	[sflag:s10] =	ssyncset.done $0x0  }
0x1a: {  	s15 =	sadd.s32 s23, s15;
	[sflag:s10] =	ssyncadd.s32 $0xFFFFC000  }
0x1b: {  	[hbm4b:s15+s2] =	stream.linear.scatter [tilespmem:s5], [sflag:$0x2], $0x4000, $0x38;
	[tilespmem:$0x10000] =	vst v63  }
0x1c: {  	s16 =	sadd.s32 $0x40800, s11  }
0x1d: {  	[hbm4b:s16+s2] =	stream.linear.scatter [tilespmem:s5], [sflag:$0x2], $0x4000, $0x38;
	[tilespmem:$0x10000] =	vst v63  }
0x1e: {  	s17 =	sadd.s32 $0x80800, s11  }
0x1f: {  	[hbm4b:s17+s2] =	stream.linear.scatter [tilespmem:s5], [sflag:$0x2], $0x4000, $0x38;
	[tilespmem:$0x10000] =	vst v63  }
0x20: {  	s18 =	sadd.s32 $0xC0800, s11  }
0x21: {  	[hbm4b:s18+s2] =	stream.linear.scatter [tilespmem:s5], [sflag:$0x2], $0x4000, $0x38;
	[tilespmem:$0x10000] =	vst v63  }
0x22: {  	_ =	swait.ge [sflag:s10], $0x4000  }
0x23: {  	[sflag:s10] =	ssyncset.done $0x0  }
0x24: {  	s19 =	sadd.s32 s23, s19;
	[sflag:s10] =	ssyncadd.s32 $0xFFFFC000  }
0x25: {  	[hbm4b:s19+s2] =	stream.linear.scatter [tilespmem:s7], [sflag:$0x2], $0x4000, $0x38;
	[tilespmem:$0x10000] =	vst v63  }
0x26: {  	s20 =	sadd.s32 $0x41000, s11  }
0x27: {  	[hbm4b:s20+s2] =	stream.linear.scatter [tilespmem:s7], [sflag:$0x2], $0x4000, $0x38;
	[tilespmem:$0x10000] =	vst v63  }
0x28: {  	s21 =	sadd.s32 $0x81000, s11  }
0x29: {  	[hbm4b:s21+s2] =	stream.linear.scatter [tilespmem:s7], [sflag:$0x2], $0x4000, $0x38;
	[tilespmem:$0x10000] =	vst v63  }
0x2a: {  	s22 =	sadd.s32 $0xC1000, s11  }
0x2b: {  	[hbm4b:s22+s2] =	stream.linear.scatter [tilespmem:s7], [sflag:$0x2], $0x4000, $0x38;
	[tilespmem:$0x10000] =	vst v63  }
0x2c: {  	_ =	swait.ge [sflag:s10], $0x4000  }
0x2d: {  	[sflag:s10] =	ssyncset.done $0x0  }
0x2e: {  	s23 =	sadd.s32 s23, s24;
	[sflag:s10] =	ssyncadd.s32 $0xFFFFC000  }
0x2f: {  	[hbm4b:s23+s2] =	stream.linear.scatter [tilespmem:s9], [sflag:$0x2], $0x4000, $0x38;
	[tilespmem:$0x10000] =	vst v63  }
0x30: {  	s24 =	sadd.s32 $0x41800, s11  }
0x31: {  	[hbm4b:s24+s2] =	stream.linear.scatter [tilespmem:s9], [sflag:$0x2], $0x4000, $0x38;
	[tilespmem:$0x10000] =	vst v63  }
0x32: {  	s25 =	sadd.s32 $0x81800, s11  }
0x33: {  	[hbm4b:s25+s2] =	stream.linear.scatter [tilespmem:s9], [sflag:$0x2], $0x4000, $0x38;
	[tilespmem:$0x10000] =	vst v63  }
0x34: {  	s28 =	simm.s32 $0x2;
	s26 =	sadd.s32 $0xC1800, s11  }
0x35: {  	[hbm4b:s26+s2] =	stream.linear.scatter [tilespmem:s9], [sflag:$0x2], $0x4000, $0x38;
	[tilespmem:$0x10000] =	vst v63  }
0x36: {  	_ =	swait.ge [sflag:s28], $0x4000  }
0x37: {  	[sflag:s28] =	ssyncset.done $0x0  }
0x38: {  	[sflag:s28] =	ssyncadd.s32 $0xFFFFC000  }
0x39: {  	_ =	swait.ge [sflag:s28], $0x4000  }
0x3a: {  	[sflag:s28] =	ssyncset.done $0x0  }
0x3b: {  	[sflag:s28] =	ssyncadd.s32 $0xFFFFC000  }
0x3c: {  	_ =	swait.ge [sflag:s28], $0x4000  }
0x3d: {  	[sflag:s28] =	ssyncset.done $0x0  }
0x3e: {  	[sflag:s28] =	ssyncadd.s32 $0xFFFFC000  }
0x3f: {  	_ =	swait.ge [sflag:s28], $0x4000  }
0x40: {  	[sflag:s28] =	ssyncset.done $0x0  }
0x41: {  	[sflag:s28] =	ssyncadd.s32 $0xFFFFC000  }
0x42: {  	_ =	swait.ge [sflag:s28], $0x4000  }
0x43: {  	[sflag:s28] =	ssyncset.done $0x0  }
0x44: {  	[sflag:s28] =	ssyncadd.s32 $0xFFFFC000  }
0x45: {  	_ =	swait.ge [sflag:s28], $0x4000  }
0x46: {  	[sflag:s28] =	ssyncset.done $0x0  }
0x47: {  	[sflag:s28] =	ssyncadd.s32 $0xFFFFC000  }
0x48: {  	_ =	swait.ge [sflag:s28], $0x4000  }
0x49: {  	[sflag:s28] =	ssyncset.done $0x0  }
0x4a: {  	[sflag:s28] =	ssyncadd.s32 $0xFFFFC000  }
0x4b: {  	_ =	swait.ge [sflag:s28], $0x4000  }
0x4c: {  	[sflag:s28] =	ssyncset.done $0x0  }
0x4d: {  	[sflag:s28] =	ssyncadd.s32 $0xFFFFC000  }
0x4e: {  	_ =	swait.ge [sflag:s28], $0x4000  }
0x4f: {  	[sflag:s28] =	ssyncset.done $0x0  }
0x50: {  	[sflag:s28] =	ssyncadd.s32 $0xFFFFC000  }
0x51: {  	_ =	swait.ge [sflag:s28], $0x4000  }
0x52: {  	[sflag:s28] =	ssyncset.done $0x0  }
0x53: {  	[sflag:s28] =	ssyncadd.s32 $0xFFFFC000  }
0x54: {  	_ =	swait.ge [sflag:s28], $0x4000  }
0x55: {  	[sflag:s28] =	ssyncset.done $0x0  }
0x56: {  	[sflag:s28] =	ssyncadd.s32 $0xFFFFC000  }
0x57: {  	_ =	swait.ge [sflag:s28], $0x4000  }
0x58: {  	[sflag:s28] =	ssyncset.done $0x0  }
0x59: {  	[sflag:s28] =	ssyncadd.s32 $0xFFFFC000  }
0x5a: {  	_ =	swait.ge [sflag:s28], $0x4000  }
0x5b: {  	s29 =	ssub.s32 $0x2, s29;
	[sflag:s28] =	ssyncset.done $0x0  }
0x5c: {  	s30 =	sshrl.u32 s29, $0x1;
	[sflag:s28] =	ssyncadd.s32 $0xFFFFC000  }
0x5d: {  	s29 =	ssub.s32 s29, s30;
	_ =	swait.ge [sflag:s28], $0x4000  }
0x5e: {  	s29 =	smax.u32 s29, $0x1;
	[sflag:s28] =	ssyncset.done $0x0  }
0x5f: {  	p0 =	sne.s32 s29, $0x1;
	[sflag:s28] =	ssyncadd.s32 $0xFFFFC000  }
.Ltmp0:
0x60: {  	_ =	swait.ge [sflag:s28], $0x4000;
	(pc) =	sbr.rel @!p0 .LBB2_2-.Ltmp0, $4  }
0x61: {  	[sflag:s28] =	ssyncset.done $0x0  }
0x62: {  	[sflag:s28] =	ssyncadd.s32 $0xFFFFC000  }
0x63: {  	_ =	swait.ge [sflag:s28], $0x4000  }
0x64: {  	s29 =	sadd.s32 $0xFFFFFFFF, s29;
	[sflag:s28] =	ssyncset.done $0x0  }
.LBB2_1:
0x65: {  	p0 =	sne.s32 s29, $0x1;
	s29 =	sadd.s32 $0xFFFFFFFF, s29;
	[sflag:s28] =	ssyncadd.s32 $0xFFFFC000  }
0x66: {  	[tilespmem:s2], [sflag:$0x1] =	stream.linear.gather [hbm4b:s3+s2], $0x4000, $0x38;
	[tilespmem:$0x10000] =	vst v63  }
0x67: {  	_ = 	snop  }
0x68: {  	[tilespmem:s5], [sflag:$0x1] =	stream.linear.gather [hbm4b:s4+s2], $0x4000, $0x38;
	[tilespmem:$0x10000] =	vst v63  }
0x69: {  	_ = 	snop  }
0x6a: {  	[tilespmem:s7], [sflag:$0x1] =	stream.linear.gather [hbm4b:s6+s2], $0x4000, $0x38;
	[tilespmem:$0x10000] =	vst v63  }
0x6b: {  	_ = 	snop  }
0x6c: {  	[tilespmem:s9], [sflag:$0x1] =	stream.linear.gather [hbm4b:s8+s2], $0x4000, $0x38;
	[tilespmem:$0x10000] =	vst v63  }
0x6d: {  	_ =	swait.ge [sflag:s10], $0x4000  }
0x6e: {  	[sflag:s10] =	ssyncset.done $0x0  }
0x6f: {  	[sflag:s10] =	ssyncadd.s32 $0xFFFFC000  }
0x70: {  	[hbm4b:s11+s2] =	stream.linear.scatter [tilespmem:s2], [sflag:$0x2], $0x4000, $0x38;
	[tilespmem:$0x10000] =	vst v63  }
0x71: {  	_ = 	snop  }
0x72: {  	[hbm4b:s12+s2] =	stream.linear.scatter [tilespmem:s2], [sflag:$0x2], $0x4000, $0x38;
	[tilespmem:$0x10000] =	vst v63  }
0x73: {  	_ = 	snop  }
0x74: {  	[hbm4b:s13+s2] =	stream.linear.scatter [tilespmem:s2], [sflag:$0x2], $0x4000, $0x38;
	[tilespmem:$0x10000] =	vst v63  }
0x75: {  	_ = 	snop  }
0x76: {  	[hbm4b:s14+s2] =	stream.linear.scatter [tilespmem:s2], [sflag:$0x2], $0x4000, $0x38;
	[tilespmem:$0x10000] =	vst v63  }
0x77: {  	_ =	swait.ge [sflag:s10], $0x4000  }
0x78: {  	[sflag:s10] =	ssyncset.done $0x0  }
0x79: {  	[sflag:s10] =	ssyncadd.s32 $0xFFFFC000  }
0x7a: {  	[hbm4b:s15+s2] =	stream.linear.scatter [tilespmem:s5], [sflag:$0x2], $0x4000, $0x38;
	[tilespmem:$0x10000] =	vst v63  }
0x7b: {  	_ = 	snop  }
0x7c: {  	[hbm4b:s16+s2] =	stream.linear.scatter [tilespmem:s5], [sflag:$0x2], $0x4000, $0x38;
	[tilespmem:$0x10000] =	vst v63  }
0x7d: {  	_ = 	snop  }
0x7e: {  	[hbm4b:s17+s2] =	stream.linear.scatter [tilespmem:s5], [sflag:$0x2], $0x4000, $0x38;
	[tilespmem:$0x10000] =	vst v63  }
0x7f: {  	_ = 	snop  }
0x80: {  	[hbm4b:s18+s2] =	stream.linear.scatter [tilespmem:s5], [sflag:$0x2], $0x4000, $0x38;
	[tilespmem:$0x10000] =	vst v63  }
0x81: {  	_ =	swait.ge [sflag:s10], $0x4000  }
0x82: {  	[sflag:s10] =	ssyncset.done $0x0  }
0x83: {  	[sflag:s10] =	ssyncadd.s32 $0xFFFFC000  }
0x84: {  	[hbm4b:s19+s2] =	stream.linear.scatter [tilespmem:s7], [sflag:$0x2], $0x4000, $0x38;
	[tilespmem:$0x10000] =	vst v63  }
0x85: {  	_ = 	snop  }
0x86: {  	[hbm4b:s20+s2] =	stream.linear.scatter [tilespmem:s7], [sflag:$0x2], $0x4000, $0x38;
	[tilespmem:$0x10000] =	vst v63  }
0x87: {  	_ = 	snop  }
0x88: {  	[hbm4b:s21+s2] =	stream.linear.scatter [tilespmem:s7], [sflag:$0x2], $0x4000, $0x38;
	[tilespmem:$0x10000] =	vst v63  }
0x89: {  	_ = 	snop  }
0x8a: {  	[hbm4b:s22+s2] =	stream.linear.scatter [tilespmem:s7], [sflag:$0x2], $0x4000, $0x38;
	[tilespmem:$0x10000] =	vst v63  }
0x8b: {  	_ =	swait.ge [sflag:s10], $0x4000  }
0x8c: {  	[sflag:s10] =	ssyncset.done $0x0  }
0x8d: {  	[sflag:s10] =	ssyncadd.s32 $0xFFFFC000  }
0x8e: {  	[hbm4b:s23+s2] =	stream.linear.scatter [tilespmem:s9], [sflag:$0x2], $0x4000, $0x38;
	[tilespmem:$0x10000] =	vst v63  }
0x8f: {  	_ = 	snop  }
0x90: {  	[hbm4b:s24+s2] =	stream.linear.scatter [tilespmem:s9], [sflag:$0x2], $0x4000, $0x38;
	[tilespmem:$0x10000] =	vst v63  }
0x91: {  	_ = 	snop  }
0x92: {  	[hbm4b:s25+s2] =	stream.linear.scatter [tilespmem:s9], [sflag:$0x2], $0x4000, $0x38;
	[tilespmem:$0x10000] =	vst v63  }
0x93: {  	_ = 	snop  }
0x94: {  	[hbm4b:s26+s2] =	stream.linear.scatter [tilespmem:s9], [sflag:$0x2], $0x4000, $0x38;
	[tilespmem:$0x10000] =	vst v63  }
0x95: {  	_ =	swait.ge [sflag:s28], $0x4000  }
0x96: {  	[sflag:s28] =	ssyncset.done $0x0  }
0x97: {  	[sflag:s28] =	ssyncadd.s32 $0xFFFFC000  }
0x98: {  	_ =	swait.ge [sflag:s28], $0x4000  }
0x99: {  	[sflag:s28] =	ssyncset.done $0x0  }
0x9a: {  	[sflag:s28] =	ssyncadd.s32 $0xFFFFC000  }
0x9b: {  	_ =	swait.ge [sflag:s28], $0x4000  }
0x9c: {  	[sflag:s28] =	ssyncset.done $0x0  }
0x9d: {  	[sflag:s28] =	ssyncadd.s32 $0xFFFFC000  }
0x9e: {  	_ =	swait.ge [sflag:s28], $0x4000  }
0x9f: {  	[sflag:s28] =	ssyncset.done $0x0  }
0xa0: {  	[sflag:s28] =	ssyncadd.s32 $0xFFFFC000  }
0xa1: {  	_ =	swait.ge [sflag:s28], $0x4000  }
0xa2: {  	[sflag:s28] =	ssyncset.done $0x0  }
0xa3: {  	[sflag:s28] =	ssyncadd.s32 $0xFFFFC000  }
0xa4: {  	_ =	swait.ge [sflag:s28], $0x4000  }
0xa5: {  	[sflag:s28] =	ssyncset.done $0x0  }
0xa6: {  	[sflag:s28] =	ssyncadd.s32 $0xFFFFC000  }
0xa7: {  	_ =	swait.ge [sflag:s28], $0x4000  }
0xa8: {  	[sflag:s28] =	ssyncset.done $0x0  }
0xa9: {  	[sflag:s28] =	ssyncadd.s32 $0xFFFFC000  }
0xaa: {  	_ =	swait.ge [sflag:s28], $0x4000  }
0xab: {  	[sflag:s28] =	ssyncset.done $0x0  }
0xac: {  	[sflag:s28] =	ssyncadd.s32 $0xFFFFC000  }
0xad: {  	_ =	swait.ge [sflag:s28], $0x4000  }
0xae: {  	[sflag:s28] =	ssyncset.done $0x0  }
0xaf: {  	[sflag:s28] =	ssyncadd.s32 $0xFFFFC000  }
0xb0: {  	_ =	swait.ge [sflag:s28], $0x4000  }
0xb1: {  	[sflag:s28] =	ssyncset.done $0x0  }
0xb2: {  	[sflag:s28] =	ssyncadd.s32 $0xFFFFC000  }
0xb3: {  	_ =	swait.ge [sflag:s28], $0x4000  }
0xb4: {  	[sflag:s28] =	ssyncset.done $0x0  }
0xb5: {  	[sflag:s28] =	ssyncadd.s32 $0xFFFFC000  }
0xb6: {  	_ =	swait.ge [sflag:s28], $0x4000  }
0xb7: {  	[sflag:s28] =	ssyncset.done $0x0  }
0xb8: {  	[sflag:s28] =	ssyncadd.s32 $0xFFFFC000  }
0xb9: {  	_ =	swait.ge [sflag:s28], $0x4000  }
0xba: {  	[sflag:s28] =	ssyncset.done $0x0  }
0xbb: {  	[sflag:s28] =	ssyncadd.s32 $0xFFFFC000  }
0xbc: {  	_ =	swait.ge [sflag:s28], $0x4000  }
0xbd: {  	[sflag:s28] =	ssyncset.done $0x0  }
0xbe: {  	[sflag:s28] =	ssyncadd.s32 $0xFFFFC000  }
.Ltmp1:
0xbf: {  	_ =	swait.ge [sflag:s28], $0x4000;
	(pc) =	sbr.rel @p0 .LBB2_1-.Ltmp1, $4  }
0xc0: {  	[sflag:s28] =	ssyncset.done $0x0  }
0xc1: {  	[sflag:s28] =	ssyncadd.s32 $0xFFFFC000  }
0xc2: {  	_ =	swait.ge [sflag:s28], $0x4000  }
0xc3: {  	[sflag:s28] =	ssyncset.done $0x0  }
.LBB2_2:
0xc4: {  	[sflag:s28] =	ssyncadd.s32 $0xFFFFC000  }
0xc5: {  	_ =	sfence.sel $0x180000  }
0xc6: {  	[bflag:$0x0] =	sbarrier.arrive $0xFFFF  }
0xc7: {  	p0 =	sne.s32 s1, $0x0;
	_ =	strace $0x90000047  }
0xc8: {  	s0 =	sadd.s32 @!p0 $0x100000, s0;
	[bflag:$0x2] =	sbarrier.arrive $0xFFFF  }
0xc9: {  	[sflag:s0] =	ssyncadd.tile.s32 @!p0 $0x1;
	_ =	shalt  }
.Lfunc_end2:
_tile_overlayer_lowered:
.L_overlay_start_2:
0xca: {  	(tag) =	ssettag $0x2  }
0xcb: {  	s0 =	rddreg [dreg:$0x0];
	s2 =	stileid.u32  }
0xcc: {  	s1 =	rddreg [dreg:$0x1];
	p0 =	sne.s32 s2, $0x0  }
0xcd: {  	s3 =	rddreg [dreg:$0x2];
	[bflag:$0x3] =	sbarrier.arrive $0xFFFF;
	s2 =	simm.s32 @!p0 $0x1C03  }
0xce: {  	[timem:s3], [sflag:s2] =	dma.local @!p0 [hbm:s0], s1  }
0xcf: {  	s0 =	simm.s32 @!p0 $0x3  }
0xd0: {  	_ =	swait.ge @!p0 [sflag:s0], s1  }
0xd1: {  	s1 =	ssub.s32 @!p0 $0x0, s1;
	[sflag:s0] =	ssyncset.done @!p0 $0x0  }
0xd2: {  	[sflag:s0] =	ssyncadd.s32 @!p0 s1  }
0xd3: {  	[bflag:$0x3] =	sbarrier.arrive $0xFFFF  }
0xd4: {  	_ =	shalt  }

</sc_bundles>
